<compile_context>
chip_gen: v7x
topology: tpu7x:2x2x1
jax: 0.10.2.dev20260603
libtpu: 0.0.44.dev20260713+nightly
codegen_flags: <defaults>
</compile_context>

<pallas_src>
import functools

import jax
import jax.numpy as jnp
from jax import lax
from jax.experimental import pallas as pl
from jax.experimental.pallas import tpu as pltpu
from jax.experimental.pallas import tpu_sc as plsc

N = 10000
E = 320000
D_H = 16

NW = 32
CHUNK = 128
ROWS = E // CHUNK
CPW = ROWS // NW
EXTRA = ROWS - NW * CPW
NPAD = 10112
RPT = NPAD // 16
NITER = CPW // 2


def _edge_pass_body(with_deg, *refs):
    if with_deg:
        (zeros_hbm, ones_hbm, table_hbm, ei_hbm,
         agg_out, deg_out,
         ei, buf_a, buf_b, ones_v, agg_s, deg_s, table_s,
         gsem_a, gsem_b, ssem_a, ssem_b, dsem_a, dsem_b) = refs
    else:
        (zeros_hbm, table_hbm, ei_hbm,
         agg_out,
         ei, buf_a, buf_b, agg_s, table_s,
         gsem_a, gsem_b, ssem_a, ssem_b) = refs

    cid = lax.axis_index("c")
    sid = lax.axis_index("s")
    w = cid * 16 + sid

    pltpu.sync_copy(ei_hbm.at[pl.ds(w * CPW, CPW)], ei.at[pl.ds(0, CPW)])

    @pl.when(w < EXTRA)
    def _():
        pltpu.sync_copy(ei_hbm.at[pl.ds(NW * CPW + w, 1)],
                        ei.at[pl.ds(CPW, 1)])

    z = sid * RPT
    zt = sid * (N // 16)
    pltpu.sync_copy(zeros_hbm.at[pl.ds(z, RPT)], agg_s.at[pl.ds(z, RPT)])
    pltpu.sync_copy(table_hbm.at[pl.ds(zt, N // 16)],
                    table_s.at[pl.ds(zt, N // 16)])
    if with_deg:
        pltpu.sync_copy(zeros_hbm.at[pl.ds(z, RPT)], deg_s.at[pl.ds(z, RPT)])
        pltpu.sync_copy(ones_hbm, ones_v)
    plsc.subcore_barrier()

    def gather(j, buf, sem):
        return pltpu.make_async_copy(table_s.at[ei.at[j, 0]], buf, sem)

    def scatter(j, buf, sem):
        return pltpu.make_async_copy(buf, agg_s.at[ei.at[j, 1]], sem)

    def deg_scatter(j, sem):
        return pltpu.make_async_copy(ones_v, deg_s.at[ei.at[j, 1]], sem)

    def scatter_start(j, buf, sem, dsem):
        scatter(j, buf, sem).start(add=True)
        if with_deg:
            deg_scatter(j, dsem).start(add=True)

    def scatter_wait(j, buf, sem, dsem):
        scatter(j, buf, sem).wait()
        if with_deg:
            deg_scatter(j, dsem).wait()

    gather(0, buf_a, gsem_a).start()
    gather(1, buf_b, gsem_b).start()

    def loop_body(i, carry):
        j0 = 2 * i
        j1 = j0 + 1
        gather(j0, buf_a, gsem_a).wait()
        scatter_start(j0, buf_a, ssem_a, dsem_a if with_deg else None)
        gather(j1, buf_b, gsem_b).wait()
        scatter_start(j1, buf_b, ssem_b, dsem_b if with_deg else None)

        @pl.when(i < NITER - 1)
        def _():
            scatter_wait(j0, buf_a, ssem_a, dsem_a if with_deg else None)
            gather(j0 + 2, buf_a, gsem_a).start()
            scatter_wait(j1, buf_b, ssem_b, dsem_b if with_deg else None)
            gather(j1 + 2, buf_b, gsem_b).start()

        return carry

    lax.fori_loop(0, NITER, loop_body, 0)
    scatter_wait(2 * NITER - 2, buf_a, ssem_a, dsem_a if with_deg else None)
    scatter_wait(2 * NITER - 1, buf_b, ssem_b, dsem_b if with_deg else None)

    @pl.when(w < EXTRA)
    def _():
        gather(CPW, buf_a, gsem_a).start()
        gather(CPW, buf_a, gsem_a).wait()
        scatter(CPW, buf_a, ssem_a).start(add=True)
        if with_deg:
            deg_scatter(CPW, dsem_a).start(add=True)
        scatter(CPW, buf_a, ssem_a).wait()
        if with_deg:
            deg_scatter(CPW, dsem_a).wait()

    plsc.subcore_barrier()

    pltpu.sync_copy(agg_s.at[pl.ds(z, RPT)], agg_out.at[cid, pl.ds(z, RPT)])
    if with_deg:
        pltpu.sync_copy(deg_s.at[pl.ds(z, RPT)],
                        deg_out.at[cid, pl.ds(z, RPT)])


def _make_edge_pass(with_deg):
    mesh = plsc.VectorSubcoreMesh(core_axis_name="c", subcore_axis_name="s")
    out_type = [jax.ShapeDtypeStruct((2, NPAD, D_H), jnp.float32)]
    if with_deg:
        out_type.append(jax.ShapeDtypeStruct((2, NPAD, D_H), jnp.float32))
    scratch = [
        pltpu.VMEM((CPW + 1, 2, CHUNK), jnp.int32),
        pltpu.VMEM((CHUNK, D_H), jnp.float32),
        pltpu.VMEM((CHUNK, D_H), jnp.float32),
    ]
    if with_deg:
        scratch.append(pltpu.VMEM((CHUNK, D_H), jnp.float32))
    scratch.append(pltpu.VMEM_SHARED((NPAD, D_H), jnp.float32))
    if with_deg:
        scratch.append(pltpu.VMEM_SHARED((NPAD, D_H), jnp.float32))
    scratch.append(pltpu.VMEM_SHARED((N, D_H), jnp.float32))
    scratch += [pltpu.SemaphoreType.DMA] * (6 if with_deg else 4)

    return pl.kernel(
        functools.partial(_edge_pass_body, with_deg),
        mesh=mesh,
        out_type=tuple(out_type) if with_deg else out_type[0],
        scratch_types=scratch,
        compiler_params=pltpu.CompilerParams(use_tc_tiling_on_sc=False),
    )


NP = N * D_H // 128
NPP = NPAD * D_H // 128
GROUP = 128 // D_H


def _dense1_body(x_ref, wlt_ref, wrt_ref, y_ref, r_ref):
    x = x_ref[...].reshape(NP, GROUP * 128)
    i = lax.broadcasted_iota(jnp.int32, (GROUP * 128, 128), 0)
    j = lax.broadcasted_iota(jnp.int32, (GROUP * 128, 128), 1)
    m = (i // 128) == (j // D_H)

    def big(w):
        wcat = jnp.concatenate([w] * GROUP, axis=0)
        wt = jnp.concatenate([wcat] * GROUP, axis=1)
        return jnp.where(m, wt, 0.0)

    y_ref[...] = jnp.dot(x, big(wlt_ref[...].T),
                         preferred_element_type=jnp.float32)
    r_ref[...] = jnp.dot(x, big(wrt_ref[...].T),
                         preferred_element_type=jnp.float32)


def _mid_body(aggp_ref, degp_ref, r_ref, b1_ref, h_ref, dinv_ref):
    agg = aggp_ref[0, :NP] + aggp_ref[1, :NP]
    deg = degp_ref[0, :NP] + degp_ref[1, :NP]
    i = lax.broadcasted_iota(jnp.int32, (128, 128), 0)
    j = lax.broadcasted_iota(jnp.int32, (128, 128), 1)
    b = jnp.where((i % D_H == 0) & (i // D_H == j // D_H), 1.0, 0.0)
    degb = jnp.dot(deg, b, preferred_element_type=jnp.float32)
    dinv = 1.0 / jnp.maximum(degb, 1.0)
    b1row = jnp.concatenate([b1_ref[...]] * GROUP, axis=1)
    h_ref[...] = jnp.maximum(agg * dinv + b1row + r_ref[...], 0.0)
    dinv_ref[...] = dinv


def _out_body(agg2p_ref, dinv_ref, h_ref, w2lt_ref, w2rt_ref, b2_ref,
              fcw_ref, fcb_ref, out_ref):
    h = h_ref[...]
    agg2 = (agg2p_ref[0, :NP] + agg2p_ref[1, :NP]) * dinv_ref[...]
    fcw = fcw_ref[...]
    wl = jnp.dot(w2lt_ref[...].T, fcw, preferred_element_type=jnp.float32)
    wr = jnp.dot(w2rt_ref[...].T, fcw, preferred_element_type=jnp.float32)
    c = jnp.dot(b2_ref[...], fcw, preferred_element_type=jnp.float32) + fcb_ref[...]
    i = lax.broadcasted_iota(jnp.int32, (128, GROUP), 0)
    j = lax.broadcasted_iota(jnp.int32, (128, GROUP), 1)
    wl_cat = jnp.concatenate([wl] * GROUP, axis=0)
    wr_cat = jnp.concatenate([wr] * GROUP, axis=0)
    kl = jnp.where(i // D_H == j, wl_cat, 0.0)
    kr = jnp.where(i // D_H == j, wr_cat, 0.0)
    out_ref[...] = (jnp.dot(agg2, kl, preferred_element_type=jnp.float32)
                    + jnp.dot(h, kr, preferred_element_type=jnp.float32) + c)


def kernel(x, edge_index, W1_l, W1_r, b1, W2_l, W2_r, b2, fc_w, fc_b):
    ei3 = edge_index.reshape(2, ROWS, CHUNK).transpose(1, 0, 2)
    zeros = jnp.zeros((NPAD, D_H), jnp.float32)
    onesc = jnp.tile(
        jnp.array([1.0] + [0.0] * (D_H - 1), jnp.float32)[None, :],
        (CHUNK, 1))
    x3 = x.reshape(NP, GROUP, 128)

    y_p, r_p = pl.pallas_call(
        _dense1_body,
        out_shape=(jax.ShapeDtypeStruct((NP, 128), jnp.float32),
                   jax.ShapeDtypeStruct((NP, 128), jnp.float32)),
    )(x3, W1_l.T, W1_r.T)

    aggp, degp = _make_edge_pass(True)(
        zeros, onesc, y_p.reshape(N, D_H), ei3)

    h_p, dinv_p = pl.pallas_call(
        _mid_body,
        out_shape=(jax.ShapeDtypeStruct((NP, 128), jnp.float32),
                   jax.ShapeDtypeStruct((NP, 128), jnp.float32)),
    )(aggp.reshape(2, NPP, 128), degp.reshape(2, NPP, 128), r_p,
      b1.reshape(1, D_H))

    agg2p = _make_edge_pass(False)(zeros, h_p.reshape(N, D_H), ei3)

    out_p = pl.pallas_call(
        _out_body,
        out_shape=jax.ShapeDtypeStruct((NP, GROUP), jnp.float32),
    )(agg2p.reshape(2, NPP, 128), dinv_p, h_p, W2_l.T, W2_r.T,
      b2.reshape(1, 8), fc_w, fc_b.reshape(1, 1))
    return out_p.reshape(N, 1)

# --- scband reference (transcript-rebuilt; emitter-appended) ---
"""Pipeline reference for scband-market-gnn-22299470201097 (READ-ONLY COPY).

The authoritative reference and input builder live on the scoring server;
editing this copy changes nothing except your own understanding.
"""

import jax, jax.numpy as jnp
import numpy as np

N = 10000
E = 320000
D_IN = 128
D_H = 16
D_OUT = 8


def setup_inputs(seed: int = 0) -> dict:
    key = jax.random.key(seed)
    ks = jax.random.split(key, 12)
    x = jax.random.normal(ks[0], (N, D_IN), dtype=jnp.float32)
    edge_index = jax.random.randint(ks[1], (2, E), 0, N, dtype=jnp.int32)
    s1 = 1.0 / np.sqrt(D_IN)
    s2 = 1.0 / np.sqrt(D_H)
    s3 = 1.0 / np.sqrt(D_OUT)
    W1_l = jax.random.uniform(ks[2], (D_IN, D_H), jnp.float32, -s1, s1)
    W1_r = jax.random.uniform(ks[3], (D_IN, D_H), jnp.float32, -s1, s1)
    b1 = jax.random.uniform(ks[4], (D_H,), jnp.float32, -s1, s1)
    W2_l = jax.random.uniform(ks[5], (D_H, D_OUT), jnp.float32, -s2, s2)
    W2_r = jax.random.uniform(ks[6], (D_H, D_OUT), jnp.float32, -s2, s2)
    b2 = jax.random.uniform(ks[7], (D_OUT,), jnp.float32, -s2, s2)
    fc_w = jax.random.uniform(ks[8], (D_OUT, 1), jnp.float32, -s3, s3)
    fc_b = jax.random.uniform(ks[9], (1,), jnp.float32, -s3, s3)
    return {"x": x, "edge_index": edge_index, "W1_l": W1_l, "W1_r": W1_r, "b1": b1,
            "W2_l": W2_l, "W2_r": W2_r, "b2": b2, "fc_w": fc_w, "fc_b": fc_b}


def _sage_conv(x, edge_index, W_l, W_r, b):
    # PyG SAGEConv with mean aggregation:
    # out = lin_l(mean_{j in N(i)} x_j) + lin_r(x_i)
    src = edge_index[0]
    dst = edge_index[1]
    n = x.shape[0]
    msgs = jnp.take(x, src, axis=0)
    agg = jax.ops.segment_sum(msgs, dst, num_segments=n)
    deg = jax.ops.segment_sum(jnp.ones((src.shape[0],), x.dtype), dst, num_segments=n)
    agg = agg / jnp.maximum(deg, 1.0)[:, None]
    return agg @ W_l + b + x @ W_r


def reference(x, edge_index, W1_l, W1_r, b1, W2_l, W2_r, b2, fc_w, fc_b):
    h = _sage_conv(x, edge_index, W1_l, W1_r, b1)
    h = jax.nn.relu(h)
    h = _sage_conv(h, edge_index, W2_l, W2_r, b2)
    out = h @ fc_w + fc_b
    return out

if __name__ == "__main__":
    import jax
    _d = setup_inputs()
    print(jax.jit(kernel)(*tuple(_d.values())))

</pallas_src>

<mosaic_0001>
#map = affine_map<(d0, d1) -> (0, 0)>
#map1 = affine_map<(d0, d1) -> (0, 0, 0)>
module attributes {stable_mosaic.version = 14 : i64} {
  func.func @_edge_pass_body(%arg0: i32, %arg1: i32, %arg2: memref<10112x16xf32, #tpu.memory_space<hbm>>, %arg3: memref<128x16xf32, #tpu.memory_space<hbm>>, %arg4: memref<10000x16xf32, #tpu.memory_space<hbm>>, %arg5: memref<2500x2x128xi32, #tpu.memory_space<hbm>>, %arg6: memref<2x10112x16xf32, #tpu.memory_space<hbm>>, %arg7: memref<2x10112x16xf32, #tpu.memory_space<hbm>>, %arg8: memref<79x2x128xi32, #tpu.memory_space<vmem>>, %arg9: memref<128x16xf32, #tpu.memory_space<vmem>>, %arg10: memref<128x16xf32, #tpu.memory_space<vmem>>, %arg11: memref<128x16xf32, #tpu.memory_space<vmem>>, %arg12: memref<10112x16xf32, #tpu.memory_space<vmem_shared>>, %arg13: memref<10112x16xf32, #tpu.memory_space<vmem_shared>>, %arg14: memref<10000x16xf32, #tpu.memory_space<vmem_shared>>, %arg15: memref<!tpu.dma_semaphore, #tpu.memory_space<semaphore_mem>>, %arg16: memref<!tpu.dma_semaphore, #tpu.memory_space<semaphore_mem>>, %arg17: memref<!tpu.dma_semaphore, #tpu.memory_space<semaphore_mem>>, %arg18: memref<!tpu.dma_semaphore, #tpu.memory_space<semaphore_mem>>, %arg19: memref<!tpu.dma_semaphore, #tpu.memory_space<semaphore_mem>>, %arg20: memref<!tpu.dma_semaphore, #tpu.memory_space<semaphore_mem>>) attributes {dimension_semantics = [#tpu.dimension_semantics<core_parallel>, #tpu.dimension_semantics<subcore_parallel>], iteration_bounds = array<i64: 2, 16>, scalar_prefetch = 0 : i64, scratch_operands = 13 : i64, tpu.core_type = #tpu.core_type<sc_vector_subcore>, window_params = [{transform_indices = #map}, {transform_indices = #map}, {transform_indices = #map}, {transform_indices = #map1}, {transform_indices = #map1}, {transform_indices = #map1}]} {
    %mul3A = arith.constant 16 : i32
    %mul3A_0 = arith.muli %arg0, %mul3A : i32
    %add3A = arith.addi %mul3A_0, %arg1 : i32
    %mul3A_1 = arith.constant 78 : i32
    %mul3A_2 = arith.muli %add3A, %mul3A_1 : i32
    "tpu.region"() ({
      %run_scoped3A = tpu.sem_alloc : memref<!tpu.dma_semaphore, #tpu.memory_space<semaphore_mem>>
      %dma_start3A_66 = arith.constant 0 : i32
      %dma_start3A_67 = arith.constant 0 : i32
      %dma_start3A_68 = arith.constant 0 : i32
      %dma_start3A_69 = tpu.memref_slice %arg8[%dma_start3A_66, %dma_start3A_67, %dma_start3A_68] : memref<79x2x128xi32, #tpu.memory_space<vmem>> -> memref<78x2x128xi32, #tpu.memory_space<vmem>>
      %dma_start3A_70 = arith.constant 0 : i32
      %dma_start3A_71 = arith.constant 0 : i32
      %dma_start3A_72 = tpu.memref_slice %arg5[%mul3A_2, %dma_start3A_70, %dma_start3A_71] : memref<2500x2x128xi32, #tpu.memory_space<hbm>> -> memref<78x2x128xi32, #tpu.memory_space<hbm>>
      %dma_start3A_73 = arith.constant 0 : i32
      %dma_start3A_74 = arith.constant 0 : i32
      %dma_start3A_75 = arith.constant 0 : i32
      %dma_start3A_76 = tpu.memref_slice %arg8[%dma_start3A_73, %dma_start3A_74, %dma_start3A_75] : memref<79x2x128xi32, #tpu.memory_space<vmem>> -> memref<78x2x128xi32, #tpu.memory_space<vmem>>
      %dma_start3A_77 = arith.constant 0 : i32
      %dma_start3A_78 = arith.constant 0 : i32
      %dma_start3A_79 = tpu.memref_slice %arg5[%mul3A_2, %dma_start3A_77, %dma_start3A_78] : memref<2500x2x128xi32, #tpu.memory_space<hbm>> -> memref<78x2x128xi32, #tpu.memory_space<hbm>>
      tpu.enqueue_dma source(%dma_start3A_79 : memref<78x2x128xi32, #tpu.memory_space<hbm>>) target(%dma_start3A_76 : memref<78x2x128xi32, #tpu.memory_space<vmem>>) target_semaphore(%run_scoped3A : memref<!tpu.dma_semaphore, #tpu.memory_space<semaphore_mem>>)
      %dma_wait3A_80 = arith.constant 0 : i32
      %dma_wait3A_81 = arith.constant 0 : i32
      %dma_wait3A_82 = arith.constant 0 : i32
      %dma_wait3A_83 = tpu.memref_slice %arg8[%dma_wait3A_80, %dma_wait3A_81, %dma_wait3A_82] : memref<79x2x128xi32, #tpu.memory_space<vmem>> -> memref<78x2x128xi32, #tpu.memory_space<vmem>>
      %dma_wait3A_84 = arith.constant 0 : i32
      %dma_wait3A_85 = arith.constant 0 : i32
      %dma_wait3A_86 = tpu.memref_slice %arg5[%mul3A_2, %dma_wait3A_84, %dma_wait3A_85] : memref<2500x2x128xi32, #tpu.memory_space<hbm>> -> memref<78x2x128xi32, #tpu.memory_space<hbm>>
      %dma_wait3A_87 = arith.constant 0 : i32
      %dma_wait3A_88 = arith.constant 0 : i32
      %dma_wait3A_89 = arith.constant 0 : i32
      %dma_wait3A_90 = tpu.memref_slice %arg8[%dma_wait3A_87, %dma_wait3A_88, %dma_wait3A_89] : memref<79x2x128xi32, #tpu.memory_space<vmem>> -> memref<78x2x128xi32, #tpu.memory_space<vmem>>
      %dma_wait3A_91 = arith.constant 0 : i32
      %dma_wait3A_92 = arith.constant 0 : i32
      %dma_wait3A_93 = tpu.memref_slice %arg5[%mul3A_2, %dma_wait3A_91, %dma_wait3A_92] : memref<2500x2x128xi32, #tpu.memory_space<hbm>> -> memref<78x2x128xi32, #tpu.memory_space<hbm>>
      tpu.wait_dma2 semaphore(%run_scoped3A : memref<!tpu.dma_semaphore, #tpu.memory_space<semaphore_mem>>) src(%dma_wait3A_93 : memref<78x2x128xi32, #tpu.memory_space<hbm>>) dst(%dma_wait3A_90 : memref<78x2x128xi32, #tpu.memory_space<vmem>>)
      tpu.yield
    }) : () -> ()
    %lt3A = arith.constant 4 : i32
    %lt3A_3 = arith.cmpi slt, %add3A, %lt3A : i32
    %convert_element_type3A = arith.extui %lt3A_3 : i1 to i32
    %cond3A = arith.constant 0 : i32
    %cond3A_4 = arith.cmpi ne, %convert_element_type3A, %cond3A : i32
    scf.if %cond3A_4 {
      %add3A_66 = arith.constant 2496 : i32
      %add3A_67 = arith.addi %add3A_66, %add3A : i32
      "tpu.region"() ({
        %run_scoped3A = tpu.sem_alloc : memref<!tpu.dma_semaphore, #tpu.memory_space<semaphore_mem>>
        %dma_start3A_68 = arith.constant 78 : i32
        %dma_start3A_69 = arith.constant 0 : i32
        %dma_start3A_70 = arith.constant 0 : i32
        %dma_start3A_71 = tpu.memref_slice %arg8[%dma_start3A_68, %dma_start3A_69, %dma_start3A_70] : memref<79x2x128xi32, #tpu.memory_space<vmem>> -> memref<1x2x128xi32, #tpu.memory_space<vmem>>
        %dma_start3A_72 = arith.constant 0 : i32
        %dma_start3A_73 = arith.constant 0 : i32
        %dma_start3A_74 = tpu.memref_slice %arg5[%add3A_67, %dma_start3A_72, %dma_start3A_73] : memref<2500x2x128xi32, #tpu.memory_space<hbm>> -> memref<1x2x128xi32, #tpu.memory_space<hbm>>
        %dma_start3A_75 = arith.constant 78 : i32
        %dma_start3A_76 = arith.constant 0 : i32
        %dma_start3A_77 = arith.constant 0 : i32
        %dma_start3A_78 = tpu.memref_slice %arg8[%dma_start3A_75, %dma_start3A_76, %dma_start3A_77] : memref<79x2x128xi32, #tpu.memory_space<vmem>> -> memref<1x2x128xi32, #tpu.memory_space<vmem>>
        %dma_start3A_79 = arith.constant 0 : i32
        %dma_start3A_80 = arith.constant 0 : i32
        %dma_start3A_81 = tpu.memref_slice %arg5[%add3A_67, %dma_start3A_79, %dma_start3A_80] : memref<2500x2x128xi32, #tpu.memory_space<hbm>> -> memref<1x2x128xi32, #tpu.memory_space<hbm>>
        tpu.enqueue_dma source(%dma_start3A_81 : memref<1x2x128xi32, #tpu.memory_space<hbm>>) target(%dma_start3A_78 : memref<1x2x128xi32, #tpu.memory_space<vmem>>) target_semaphore(%run_scoped3A : memref<!tpu.dma_semaphore, #tpu.memory_space<semaphore_mem>>)
        %dma_wait3A_82 = arith.constant 78 : i32
        %dma_wait3A_83 = arith.constant 0 : i32
        %dma_wait3A_84 = arith.constant 0 : i32
        %dma_wait3A_85 = tpu.memref_slice %arg8[%dma_wait3A_82, %dma_wait3A_83, %dma_wait3A_84] : memref<79x2x128xi32, #tpu.memory_space<vmem>> -> memref<1x2x128xi32, #tpu.memory_space<vmem>>
        %dma_wait3A_86 = arith.constant 0 : i32
        %dma_wait3A_87 = arith.constant 0 : i32
        %dma_wait3A_88 = tpu.memref_slice %arg5[%add3A_67, %dma_wait3A_86, %dma_wait3A_87] : memref<2500x2x128xi32, #tpu.memory_space<hbm>> -> memref<1x2x128xi32, #tpu.memory_space<hbm>>
        %dma_wait3A_89 = arith.constant 78 : i32
        %dma_wait3A_90 = arith.constant 0 : i32
        %dma_wait3A_91 = arith.constant 0 : i32
        %dma_wait3A_92 = tpu.memref_slice %arg8[%dma_wait3A_89, %dma_wait3A_90, %dma_wait3A_91] : memref<79x2x128xi32, #tpu.memory_space<vmem>> -> memref<1x2x128xi32, #tpu.memory_space<vmem>>
        %dma_wait3A_93 = arith.constant 0 : i32
        %dma_wait3A_94 = arith.constant 0 : i32
        %dma_wait3A_95 = tpu.memref_slice %arg5[%add3A_67, %dma_wait3A_93, %dma_wait3A_94] : memref<2500x2x128xi32, #tpu.memory_space<hbm>> -> memref<1x2x128xi32, #tpu.memory_space<hbm>>
        tpu.wait_dma2 semaphore(%run_scoped3A : memref<!tpu.dma_semaphore, #tpu.memory_space<semaphore_mem>>) src(%dma_wait3A_95 : memref<1x2x128xi32, #tpu.memory_space<hbm>>) dst(%dma_wait3A_92 : memref<1x2x128xi32, #tpu.memory_space<vmem>>)
        tpu.yield
      }) : () -> ()
    } else {
    }
    %mul3A_5 = arith.constant 632 : i32
    %mul3A_6 = arith.muli %arg1, %mul3A_5 : i32
    %mul3A_7 = arith.constant 625 : i32
    %mul3A_8 = arith.muli %arg1, %mul3A_7 : i32
    "tpu.region"() ({
      %run_scoped3A = tpu.sem_alloc : memref<!tpu.dma_semaphore, #tpu.memory_space<semaphore_mem>>
      %dma_start3A_66 = arith.constant 0 : i32
      %dma_start3A_67 = tpu.memref_slice %arg12[%mul3A_6, %dma_start3A_66] : memref<10112x16xf32, #tpu.memory_space<vmem_shared>> -> memref<632x16xf32, #tpu.memory_space<vmem_shared>>
      %dma_start3A_68 = arith.constant 0 : i32
      %dma_start3A_69 = tpu.memref_slice %arg2[%mul3A_6, %dma_start3A_68] : memref<10112x16xf32, #tpu.memory_space<hbm>> -> memref<632x16xf32, #tpu.memory_space<hbm>>
      tpu.enqueue_dma source(%dma_start3A_69 : memref<632x16xf32, #tpu.memory_space<hbm>>) target(%dma_start3A_67 : memref<632x16xf32, #tpu.memory_space<vmem_shared>>) target_semaphore(%run_scoped3A : memref<!tpu.dma_semaphore, #tpu.memory_space<semaphore_mem>>)
      %dma_wait3A_70 = arith.constant 0 : i32
      %dma_wait3A_71 = tpu.memref_slice %arg12[%mul3A_6, %dma_wait3A_70] : memref<10112x16xf32, #tpu.memory_space<vmem_shared>> -> memref<632x16xf32, #tpu.memory_space<vmem_shared>>
      %dma_wait3A_72 = arith.constant 0 : i32
      %dma_wait3A_73 = tpu.memref_slice %arg2[%mul3A_6, %dma_wait3A_72] : memref<10112x16xf32, #tpu.memory_space<hbm>> -> memref<632x16xf32, #tpu.memory_space<hbm>>
      tpu.wait_dma2 semaphore(%run_scoped3A : memref<!tpu.dma_semaphore, #tpu.memory_space<semaphore_mem>>) src(%dma_wait3A_73 : memref<632x16xf32, #tpu.memory_space<hbm>>) dst(%dma_wait3A_71 : memref<632x16xf32, #tpu.memory_space<vmem_shared>>)
      tpu.yield
    }) : () -> ()
    "tpu.region"() ({
      %run_scoped3A = tpu.sem_alloc : memref<!tpu.dma_semaphore, #tpu.memory_space<semaphore_mem>>
      %dma_start3A_66 = arith.constant 0 : i32
      %dma_start3A_67 = tpu.memref_slice %arg14[%mul3A_8, %dma_start3A_66] : memref<10000x16xf32, #tpu.memory_space<vmem_shared>> -> memref<625x16xf32, #tpu.memory_space<vmem_shared>>
      %dma_start3A_68 = arith.constant 0 : i32
      %dma_start3A_69 = tpu.memref_slice %arg4[%mul3A_8, %dma_start3A_68] : memref<10000x16xf32, #tpu.memory_space<hbm>> -> memref<625x16xf32, #tpu.memory_space<hbm>>
      tpu.enqueue_dma source(%dma_start3A_69 : memref<625x16xf32, #tpu.memory_space<hbm>>) target(%dma_start3A_67 : memref<625x16xf32, #tpu.memory_space<vmem_shared>>) target_semaphore(%run_scoped3A : memref<!tpu.dma_semaphore, #tpu.memory_space<semaphore_mem>>)
      %dma_wait3A_70 = arith.constant 0 : i32
      %dma_wait3A_71 = tpu.memref_slice %arg14[%mul3A_8, %dma_wait3A_70] : memref<10000x16xf32, #tpu.memory_space<vmem_shared>> -> memref<625x16xf32, #tpu.memory_space<vmem_shared>>
      %dma_wait3A_72 = arith.constant 0 : i32
      %dma_wait3A_73 = tpu.memref_slice %arg4[%mul3A_8, %dma_wait3A_72] : memref<10000x16xf32, #tpu.memory_space<hbm>> -> memref<625x16xf32, #tpu.memory_space<hbm>>
      tpu.wait_dma2 semaphore(%run_scoped3A : memref<!tpu.dma_semaphore, #tpu.memory_space<semaphore_mem>>) src(%dma_wait3A_73 : memref<625x16xf32, #tpu.memory_space<hbm>>) dst(%dma_wait3A_71 : memref<625x16xf32, #tpu.memory_space<vmem_shared>>)
      tpu.yield
    }) : () -> ()
    "tpu.region"() ({
      %run_scoped3A = tpu.sem_alloc : memref<!tpu.dma_semaphore, #tpu.memory_space<semaphore_mem>>
      %dma_start3A_66 = arith.constant 0 : i32
      %dma_start3A_67 = tpu.memref_slice %arg13[%mul3A_6, %dma_start3A_66] : memref<10112x16xf32, #tpu.memory_space<vmem_shared>> -> memref<632x16xf32, #tpu.memory_space<vmem_shared>>
      %dma_start3A_68 = arith.constant 0 : i32
      %dma_start3A_69 = tpu.memref_slice %arg2[%mul3A_6, %dma_start3A_68] : memref<10112x16xf32, #tpu.memory_space<hbm>> -> memref<632x16xf32, #tpu.memory_space<hbm>>
      tpu.enqueue_dma source(%dma_start3A_69 : memref<632x16xf32, #tpu.memory_space<hbm>>) target(%dma_start3A_67 : memref<632x16xf32, #tpu.memory_space<vmem_shared>>) target_semaphore(%run_scoped3A : memref<!tpu.dma_semaphore, #tpu.memory_space<semaphore_mem>>)
      %dma_wait3A_70 = arith.constant 0 : i32
      %dma_wait3A_71 = tpu.memref_slice %arg13[%mul3A_6, %dma_wait3A_70] : memref<10112x16xf32, #tpu.memory_space<vmem_shared>> -> memref<632x16xf32, #tpu.memory_space<vmem_shared>>
      %dma_wait3A_72 = arith.constant 0 : i32
      %dma_wait3A_73 = tpu.memref_slice %arg2[%mul3A_6, %dma_wait3A_72] : memref<10112x16xf32, #tpu.memory_space<hbm>> -> memref<632x16xf32, #tpu.memory_space<hbm>>
      tpu.wait_dma2 semaphore(%run_scoped3A : memref<!tpu.dma_semaphore, #tpu.memory_space<semaphore_mem>>) src(%dma_wait3A_73 : memref<632x16xf32, #tpu.memory_space<hbm>>) dst(%dma_wait3A_71 : memref<632x16xf32, #tpu.memory_space<vmem_shared>>)
      tpu.yield
    }) : () -> ()
    "tpu.region"() ({
      %run_scoped3A = tpu.sem_alloc : memref<!tpu.dma_semaphore, #tpu.memory_space<semaphore_mem>>
      tpu.enqueue_dma source(%arg3 : memref<128x16xf32, #tpu.memory_space<hbm>>) target(%arg11 : memref<128x16xf32, #tpu.memory_space<vmem>>) target_semaphore(%run_scoped3A : memref<!tpu.dma_semaphore, #tpu.memory_space<semaphore_mem>>)
      tpu.wait_dma2 semaphore(%run_scoped3A : memref<!tpu.dma_semaphore, #tpu.memory_space<semaphore_mem>>) src(%arg3 : memref<128x16xf32, #tpu.memory_space<hbm>>) dst(%arg11 : memref<128x16xf32, #tpu.memory_space<vmem>>)
      tpu.yield
    }) : () -> ()
    %barrier3A = arith.constant 0 : index
    tpu.barrier barrier_id(%barrier3A)
    %dma_start3A = arith.constant 0 : i32
    %dma_start3A_9 = arith.constant 0 : i32
    %dma_start3A_10 = arith.constant 0 : i32
    %dma_start3A_11 = tpu.memref_slice %arg8[%dma_start3A, %dma_start3A_9, %dma_start3A_10] : memref<79x2x128xi32, #tpu.memory_space<vmem>> -> memref<1x1x128xi32, #tpu.memory_space<vmem>>
    %dma_start3A_12 = tpu.memref_squeeze %dma_start3A_11 : memref<1x1x128xi32, #tpu.memory_space<vmem>> -> memref<128xi32, #tpu.memory_space<vmem>>
    %dma_start3A_13 = arith.constant 0 : i32
    %dma_start3A_14 = arith.constant 0 : i32
    %dma_start3A_15 = tpu.memref_slice %arg14[%dma_start3A_13, %dma_start3A_14] : memref<10000x16xf32, #tpu.memory_space<vmem_shared>> -> memref<10000x16xf32, #tpu.memory_space<vmem_shared>>
    tpu.enqueue_indirect_dma source(%dma_start3A_15 : memref<10000x16xf32, #tpu.memory_space<vmem_shared>>) target(%arg9 : memref<128x16xf32, #tpu.memory_space<vmem>>) offsets(%dma_start3A_12 : memref<128xi32, #tpu.memory_space<vmem>>) semaphore(%arg15 : memref<!tpu.dma_semaphore, #tpu.memory_space<semaphore_mem>>)
    %dma_start3A_16 = arith.constant 1 : i32
    %dma_start3A_17 = arith.constant 0 : i32
    %dma_start3A_18 = arith.constant 0 : i32
    %dma_start3A_19 = tpu.memref_slice %arg8[%dma_start3A_16, %dma_start3A_17, %dma_start3A_18] : memref<79x2x128xi32, #tpu.memory_space<vmem>> -> memref<1x1x128xi32, #tpu.memory_space<vmem>>
    %dma_start3A_20 = tpu.memref_squeeze %dma_start3A_19 : memref<1x1x128xi32, #tpu.memory_space<vmem>> -> memref<128xi32, #tpu.memory_space<vmem>>
    %dma_start3A_21 = arith.constant 0 : i32
    %dma_start3A_22 = arith.constant 0 : i32
    %dma_start3A_23 = tpu.memref_slice %arg14[%dma_start3A_21, %dma_start3A_22] : memref<10000x16xf32, #tpu.memory_space<vmem_shared>> -> memref<10000x16xf32, #tpu.memory_space<vmem_shared>>
    tpu.enqueue_indirect_dma source(%dma_start3A_23 : memref<10000x16xf32, #tpu.memory_space<vmem_shared>>) target(%arg10 : memref<128x16xf32, #tpu.memory_space<vmem>>) offsets(%dma_start3A_20 : memref<128xi32, #tpu.memory_space<vmem>>) semaphore(%arg16 : memref<!tpu.dma_semaphore, #tpu.memory_space<semaphore_mem>>)
    %scan3A = arith.constant 0 : i32
    %scan3A_24 = arith.constant 0 : i32
    %scan3A_25 = arith.constant 39 : i32
    %scan3A_26 = arith.addi %scan3A_24, %scan3A_25 : i32
    %scan3A_27 = arith.constant 1 : i32
    scf.for %scan3A_66 = %scan3A_24 to %scan3A_26 step %scan3A_27  : i32 {
      %mul3A_67 = arith.constant 2 : i32
      %mul3A_68 = arith.muli %mul3A_67, %scan3A_66 : i32
      %add3A_69 = arith.constant 1 : i32
      %add3A_70 = arith.addi %mul3A_68, %add3A_69 : i32
      %dma_wait3A_71 = arith.constant 0 : i32
      %dma_wait3A_72 = arith.constant 0 : i32
      %dma_wait3A_73 = tpu.memref_slice %arg8[%mul3A_68, %dma_wait3A_71, %dma_wait3A_72] : memref<79x2x128xi32, #tpu.memory_space<vmem>> -> memref<1x1x128xi32, #tpu.memory_space<vmem>>
      %dma_wait3A_74 = tpu.memref_squeeze %dma_wait3A_73 : memref<1x1x128xi32, #tpu.memory_space<vmem>> -> memref<128xi32, #tpu.memory_space<vmem>>
      %dma_wait3A_75 = arith.constant 0 : i32
      %dma_wait3A_76 = arith.constant 0 : i32
      %dma_wait3A_77 = tpu.memref_slice %arg14[%dma_wait3A_75, %dma_wait3A_76] : memref<10000x16xf32, #tpu.memory_space<vmem_shared>> -> memref<10000x16xf32, #tpu.memory_space<vmem_shared>>
      tpu.wait_indirect_dma semaphore(%arg15 : memref<!tpu.dma_semaphore, #tpu.memory_space<semaphore_mem>>) src(%dma_wait3A_77 : memref<10000x16xf32, #tpu.memory_space<vmem_shared>>) dst(%arg9 : memref<128x16xf32, #tpu.memory_space<vmem>>)
      %dma_start3A_78 = arith.constant 1 : i32
      %dma_start3A_79 = arith.constant 0 : i32
      %dma_start3A_80 = tpu.memref_slice %arg8[%mul3A_68, %dma_start3A_78, %dma_start3A_79] : memref<79x2x128xi32, #tpu.memory_space<vmem>> -> memref<1x1x128xi32, #tpu.memory_space<vmem>>
      %dma_start3A_81 = tpu.memref_squeeze %dma_start3A_80 : memref<1x1x128xi32, #tpu.memory_space<vmem>> -> memref<128xi32, #tpu.memory_space<vmem>>
      %dma_start3A_82 = arith.constant 0 : i32
      %dma_start3A_83 = arith.constant 0 : i32
      %dma_start3A_84 = tpu.memref_slice %arg12[%dma_start3A_82, %dma_start3A_83] : memref<10112x16xf32, #tpu.memory_space<vmem_shared>> -> memref<10112x16xf32, #tpu.memory_space<vmem_shared>>
      tpu.enqueue_indirect_dma source(%arg9 : memref<128x16xf32, #tpu.memory_space<vmem>>) target(%dma_start3A_84 : memref<10112x16xf32, #tpu.memory_space<vmem_shared>>) offsets(%dma_start3A_81 : memref<128xi32, #tpu.memory_space<vmem>>) semaphore(%arg17 : memref<!tpu.dma_semaphore, #tpu.memory_space<semaphore_mem>>) {add = true}
      %dma_start3A_85 = arith.constant 1 : i32
      %dma_start3A_86 = arith.constant 0 : i32
      %dma_start3A_87 = tpu.memref_slice %arg8[%mul3A_68, %dma_start3A_85, %dma_start3A_86] : memref<79x2x128xi32, #tpu.memory_space<vmem>> -> memref<1x1x128xi32, #tpu.memory_space<vmem>>
      %dma_start3A_88 = tpu.memref_squeeze %dma_start3A_87 : memref<1x1x128xi32, #tpu.memory_space<vmem>> -> memref<128xi32, #tpu.memory_space<vmem>>
      %dma_start3A_89 = arith.constant 0 : i32
      %dma_start3A_90 = arith.constant 0 : i32
      %dma_start3A_91 = tpu.memref_slice %arg13[%dma_start3A_89, %dma_start3A_90] : memref<10112x16xf32, #tpu.memory_space<vmem_shared>> -> memref<10112x16xf32, #tpu.memory_space<vmem_shared>>
      tpu.enqueue_indirect_dma source(%arg11 : memref<128x16xf32, #tpu.memory_space<vmem>>) target(%dma_start3A_91 : memref<10112x16xf32, #tpu.memory_space<vmem_shared>>) offsets(%dma_start3A_88 : memref<128xi32, #tpu.memory_space<vmem>>) semaphore(%arg19 : memref<!tpu.dma_semaphore, #tpu.memory_space<semaphore_mem>>) {add = true}
      %dma_wait3A_92 = arith.constant 0 : i32
      %dma_wait3A_93 = arith.constant 0 : i32
      %dma_wait3A_94 = tpu.memref_slice %arg8[%add3A_70, %dma_wait3A_92, %dma_wait3A_93] : memref<79x2x128xi32, #tpu.memory_space<vmem>> -> memref<1x1x128xi32, #tpu.memory_space<vmem>>
      %dma_wait3A_95 = tpu.memref_squeeze %dma_wait3A_94 : memref<1x1x128xi32, #tpu.memory_space<vmem>> -> memref<128xi32, #tpu.memory_space<vmem>>
      %dma_wait3A_96 = arith.constant 0 : i32
      %dma_wait3A_97 = arith.constant 0 : i32
      %dma_wait3A_98 = tpu.memref_slice %arg14[%dma_wait3A_96, %dma_wait3A_97] : memref<10000x16xf32, #tpu.memory_space<vmem_shared>> -> memref<10000x16xf32, #tpu.memory_space<vmem_shared>>
      tpu.wait_indirect_dma semaphore(%arg16 : memref<!tpu.dma_semaphore, #tpu.memory_space<semaphore_mem>>) src(%dma_wait3A_98 : memref<10000x16xf32, #tpu.memory_space<vmem_shared>>) dst(%arg10 : memref<128x16xf32, #tpu.memory_space<vmem>>)
      %dma_start3A_99 = arith.constant 1 : i32
      %dma_start3A_100 = arith.constant 0 : i32
      %dma_start3A_101 = tpu.memref_slice %arg8[%add3A_70, %dma_start3A_99, %dma_start3A_100] : memref<79x2x128xi32, #tpu.memory_space<vmem>> -> memref<1x1x128xi32, #tpu.memory_space<vmem>>
      %dma_start3A_102 = tpu.memref_squeeze %dma_start3A_101 : memref<1x1x128xi32, #tpu.memory_space<vmem>> -> memref<128xi32, #tpu.memory_space<vmem>>
      %dma_start3A_103 = arith.constant 0 : i32
      %dma_start3A_104 = arith.constant 0 : i32
      %dma_start3A_105 = tpu.memref_slice %arg12[%dma_start3A_103, %dma_start3A_104] : memref<10112x16xf32, #tpu.memory_space<vmem_shared>> -> memref<10112x16xf32, #tpu.memory_space<vmem_shared>>
      tpu.enqueue_indirect_dma source(%arg10 : memref<128x16xf32, #tpu.memory_space<vmem>>) target(%dma_start3A_105 : memref<10112x16xf32, #tpu.memory_space<vmem_shared>>) offsets(%dma_start3A_102 : memref<128xi32, #tpu.memory_space<vmem>>) semaphore(%arg18 : memref<!tpu.dma_semaphore, #tpu.memory_space<semaphore_mem>>) {add = true}
      %dma_start3A_106 = arith.constant 1 : i32
      %dma_start3A_107 = arith.constant 0 : i32
      %dma_start3A_108 = tpu.memref_slice %arg8[%add3A_70, %dma_start3A_106, %dma_start3A_107] : memref<79x2x128xi32, #tpu.memory_space<vmem>> -> memref<1x1x128xi32, #tpu.memory_space<vmem>>
      %dma_start3A_109 = tpu.memref_squeeze %dma_start3A_108 : memref<1x1x128xi32, #tpu.memory_space<vmem>> -> memref<128xi32, #tpu.memory_space<vmem>>
      %dma_start3A_110 = arith.constant 0 : i32
      %dma_start3A_111 = arith.constant 0 : i32
      %dma_start3A_112 = tpu.memref_slice %arg13[%dma_start3A_110, %dma_start3A_111] : memref<10112x16xf32, #tpu.memory_space<vmem_shared>> -> memref<10112x16xf32, #tpu.memory_space<vmem_shared>>
      tpu.enqueue_indirect_dma source(%arg11 : memref<128x16xf32, #tpu.memory_space<vmem>>) target(%dma_start3A_112 : memref<10112x16xf32, #tpu.memory_space<vmem_shared>>) offsets(%dma_start3A_109 : memref<128xi32, #tpu.memory_space<vmem>>) semaphore(%arg20 : memref<!tpu.dma_semaphore, #tpu.memory_space<semaphore_mem>>) {add = true}
      %lt3A_113 = arith.constant 38 : i32
      %lt3A_114 = arith.cmpi slt, %scan3A_66, %lt3A_113 : i32
      %convert_element_type3A_115 = arith.extui %lt3A_114 : i1 to i32
      %cond3A_116 = arith.constant 0 : i32
      %cond3A_117 = arith.cmpi ne, %convert_element_type3A_115, %cond3A_116 : i32
      scf.if %cond3A_117 {
        %dma_wait3A_118 = arith.constant 1 : i32
        %dma_wait3A_119 = arith.constant 0 : i32
        %dma_wait3A_120 = tpu.memref_slice %arg8[%mul3A_68, %dma_wait3A_118, %dma_wait3A_119] : memref<79x2x128xi32, #tpu.memory_space<vmem>> -> memref<1x1x128xi32, #tpu.memory_space<vmem>>
        %dma_wait3A_121 = tpu.memref_squeeze %dma_wait3A_120 : memref<1x1x128xi32, #tpu.memory_space<vmem>> -> memref<128xi32, #tpu.memory_space<vmem>>
        %dma_wait3A_122 = arith.constant 0 : i32
        %dma_wait3A_123 = arith.constant 0 : i32
        %dma_wait3A_124 = tpu.memref_slice %arg12[%dma_wait3A_122, %dma_wait3A_123] : memref<10112x16xf32, #tpu.memory_space<vmem_shared>> -> memref<10112x16xf32, #tpu.memory_space<vmem_shared>>
        tpu.wait_indirect_dma semaphore(%arg17 : memref<!tpu.dma_semaphore, #tpu.memory_space<semaphore_mem>>) src(%arg9 : memref<128x16xf32, #tpu.memory_space<vmem>>) dst(%dma_wait3A_124 : memref<10112x16xf32, #tpu.memory_space<vmem_shared>>)
        %dma_wait3A_125 = arith.constant 1 : i32
        %dma_wait3A_126 = arith.constant 0 : i32
        %dma_wait3A_127 = tpu.memref_slice %arg8[%mul3A_68, %dma_wait3A_125, %dma_wait3A_126] : memref<79x2x128xi32, #tpu.memory_space<vmem>> -> memref<1x1x128xi32, #tpu.memory_space<vmem>>
        %dma_wait3A_128 = tpu.memref_squeeze %dma_wait3A_127 : memref<1x1x128xi32, #tpu.memory_space<vmem>> -> memref<128xi32, #tpu.memory_space<vmem>>
        %dma_wait3A_129 = arith.constant 0 : i32
        %dma_wait3A_130 = arith.constant 0 : i32
        %dma_wait3A_131 = tpu.memref_slice %arg13[%dma_wait3A_129, %dma_wait3A_130] : memref<10112x16xf32, #tpu.memory_space<vmem_shared>> -> memref<10112x16xf32, #tpu.memory_space<vmem_shared>>
        tpu.wait_indirect_dma semaphore(%arg19 : memref<!tpu.dma_semaphore, #tpu.memory_space<semaphore_mem>>) src(%arg11 : memref<128x16xf32, #tpu.memory_space<vmem>>) dst(%dma_wait3A_131 : memref<10112x16xf32, #tpu.memory_space<vmem_shared>>)
        %add3A_132 = arith.constant 2 : i32
        %add3A_133 = arith.addi %mul3A_68, %add3A_132 : i32
        %dma_start3A_134 = arith.constant 0 : i32
        %dma_start3A_135 = arith.constant 0 : i32
        %dma_start3A_136 = tpu.memref_slice %arg8[%add3A_133, %dma_start3A_134, %dma_start3A_135] : memref<79x2x128xi32, #tpu.memory_space<vmem>> -> memref<1x1x128xi32, #tpu.memory_space<vmem>>
        %dma_start3A_137 = tpu.memref_squeeze %dma_start3A_136 : memref<1x1x128xi32, #tpu.memory_space<vmem>> -> memref<128xi32, #tpu.memory_space<vmem>>
        %dma_start3A_138 = arith.constant 0 : i32
        %dma_start3A_139 = arith.constant 0 : i32
        %dma_start3A_140 = tpu.memref_slice %arg14[%dma_start3A_138, %dma_start3A_139] : memref<10000x16xf32, #tpu.memory_space<vmem_shared>> -> memref<10000x16xf32, #tpu.memory_space<vmem_shared>>
        tpu.enqueue_indirect_dma source(%dma_start3A_140 : memref<10000x16xf32, #tpu.memory_space<vmem_shared>>) target(%arg9 : memref<128x16xf32, #tpu.memory_space<vmem>>) offsets(%dma_start3A_137 : memref<128xi32, #tpu.memory_space<vmem>>) semaphore(%arg15 : memref<!tpu.dma_semaphore, #tpu.memory_space<semaphore_mem>>)
        %dma_wait3A_141 = arith.constant 1 : i32
        %dma_wait3A_142 = arith.constant 0 : i32
        %dma_wait3A_143 = tpu.memref_slice %arg8[%add3A_70, %dma_wait3A_141, %dma_wait3A_142] : memref<79x2x128xi32, #tpu.memory_space<vmem>> -> memref<1x1x128xi32, #tpu.memory_space<vmem>>
        %dma_wait3A_144 = tpu.memref_squeeze %dma_wait3A_143 : memref<1x1x128xi32, #tpu.memory_space<vmem>> -> memref<128xi32, #tpu.memory_space<vmem>>
        %dma_wait3A_145 = arith.constant 0 : i32
        %dma_wait3A_146 = arith.constant 0 : i32
        %dma_wait3A_147 = tpu.memref_slice %arg12[%dma_wait3A_145, %dma_wait3A_146] : memref<10112x16xf32, #tpu.memory_space<vmem_shared>> -> memref<10112x16xf32, #tpu.memory_space<vmem_shared>>
        tpu.wait_indirect_dma semaphore(%arg18 : memref<!tpu.dma_semaphore, #tpu.memory_space<semaphore_mem>>) src(%arg10 : memref<128x16xf32, #tpu.memory_space<vmem>>) dst(%dma_wait3A_147 : memref<10112x16xf32, #tpu.memory_space<vmem_shared>>)
        %dma_wait3A_148 = arith.constant 1 : i32
        %dma_wait3A_149 = arith.constant 0 : i32
        %dma_wait3A_150 = tpu.memref_slice %arg8[%add3A_70, %dma_wait3A_148, %dma_wait3A_149] : memref<79x2x128xi32, #tpu.memory_space<vmem>> -> memref<1x1x128xi32, #tpu.memory_space<vmem>>
        %dma_wait3A_151 = tpu.memref_squeeze %dma_wait3A_150 : memref<1x1x128xi32, #tpu.memory_space<vmem>> -> memref<128xi32, #tpu.memory_space<vmem>>
        %dma_wait3A_152 = arith.constant 0 : i32
        %dma_wait3A_153 = arith.constant 0 : i32
        %dma_wait3A_154 = tpu.memref_slice %arg13[%dma_wait3A_152, %dma_wait3A_153] : memref<10112x16xf32, #tpu.memory_space<vmem_shared>> -> memref<10112x16xf32, #tpu.memory_space<vmem_shared>>
        tpu.wait_indirect_dma semaphore(%arg20 : memref<!tpu.dma_semaphore, #tpu.memory_space<semaphore_mem>>) src(%arg11 : memref<128x16xf32, #tpu.memory_space<vmem>>) dst(%dma_wait3A_154 : memref<10112x16xf32, #tpu.memory_space<vmem_shared>>)
        %add3A_155 = arith.constant 2 : i32
        %add3A_156 = arith.addi %add3A_70, %add3A_155 : i32
        %dma_start3A_157 = arith.constant 0 : i32
        %dma_start3A_158 = arith.constant 0 : i32
        %dma_start3A_159 = tpu.memref_slice %arg8[%add3A_156, %dma_start3A_157, %dma_start3A_158] : memref<79x2x128xi32, #tpu.memory_space<vmem>> -> memref<1x1x128xi32, #tpu.memory_space<vmem>>
        %dma_start3A_160 = tpu.memref_squeeze %dma_start3A_159 : memref<1x1x128xi32, #tpu.memory_space<vmem>> -> memref<128xi32, #tpu.memory_space<vmem>>
        %dma_start3A_161 = arith.constant 0 : i32
        %dma_start3A_162 = arith.constant 0 : i32
        %dma_start3A_163 = tpu.memref_slice %arg14[%dma_start3A_161, %dma_start3A_162] : memref<10000x16xf32, #tpu.memory_space<vmem_shared>> -> memref<10000x16xf32, #tpu.memory_space<vmem_shared>>
        tpu.enqueue_indirect_dma source(%dma_start3A_163 : memref<10000x16xf32, #tpu.memory_space<vmem_shared>>) target(%arg10 : memref<128x16xf32, #tpu.memory_space<vmem>>) offsets(%dma_start3A_160 : memref<128xi32, #tpu.memory_space<vmem>>) semaphore(%arg16 : memref<!tpu.dma_semaphore, #tpu.memory_space<semaphore_mem>>)
      } else {
      }
    }
    %scan3A_28 = arith.constant 39 : i32
    %dma_wait3A = arith.constant 76 : i32
    %dma_wait3A_29 = arith.constant 1 : i32
    %dma_wait3A_30 = arith.constant 0 : i32
    %dma_wait3A_31 = tpu.memref_slice %arg8[%dma_wait3A, %dma_wait3A_29, %dma_wait3A_30] : memref<79x2x128xi32, #tpu.memory_space<vmem>> -> memref<1x1x128xi32, #tpu.memory_space<vmem>>
    %dma_wait3A_32 = tpu.memref_squeeze %dma_wait3A_31 : memref<1x1x128xi32, #tpu.memory_space<vmem>> -> memref<128xi32, #tpu.memory_space<vmem>>
    %dma_wait3A_33 = arith.constant 0 : i32
    %dma_wait3A_34 = arith.constant 0 : i32
    %dma_wait3A_35 = tpu.memref_slice %arg12[%dma_wait3A_33, %dma_wait3A_34] : memref<10112x16xf32, #tpu.memory_space<vmem_shared>> -> memref<10112x16xf32, #tpu.memory_space<vmem_shared>>
    tpu.wait_indirect_dma semaphore(%arg17 : memref<!tpu.dma_semaphore, #tpu.memory_space<semaphore_mem>>) src(%arg9 : memref<128x16xf32, #tpu.memory_space<vmem>>) dst(%dma_wait3A_35 : memref<10112x16xf32, #tpu.memory_space<vmem_shared>>)
    %dma_wait3A_36 = arith.constant 76 : i32
    %dma_wait3A_37 = arith.constant 1 : i32
    %dma_wait3A_38 = arith.constant 0 : i32
    %dma_wait3A_39 = tpu.memref_slice %arg8[%dma_wait3A_36, %dma_wait3A_37, %dma_wait3A_38] : memref<79x2x128xi32, #tpu.memory_space<vmem>> -> memref<1x1x128xi32, #tpu.memory_space<vmem>>
    %dma_wait3A_40 = tpu.memref_squeeze %dma_wait3A_39 : memref<1x1x128xi32, #tpu.memory_space<vmem>> -> memref<128xi32, #tpu.memory_space<vmem>>
    %dma_wait3A_41 = arith.constant 0 : i32
    %dma_wait3A_42 = arith.constant 0 : i32
    %dma_wait3A_43 = tpu.memref_slice %arg13[%dma_wait3A_41, %dma_wait3A_42] : memref<10112x16xf32, #tpu.memory_space<vmem_shared>> -> memref<10112x16xf32, #tpu.memory_space<vmem_shared>>
    tpu.wait_indirect_dma semaphore(%arg19 : memref<!tpu.dma_semaphore, #tpu.memory_space<semaphore_mem>>) src(%arg11 : memref<128x16xf32, #tpu.memory_space<vmem>>) dst(%dma_wait3A_43 : memref<10112x16xf32, #tpu.memory_space<vmem_shared>>)
    %dma_wait3A_44 = arith.constant 77 : i32
    %dma_wait3A_45 = arith.constant 1 : i32
    %dma_wait3A_46 = arith.constant 0 : i32
    %dma_wait3A_47 = tpu.memref_slice %arg8[%dma_wait3A_44, %dma_wait3A_45, %dma_wait3A_46] : memref<79x2x128xi32, #tpu.memory_space<vmem>> -> memref<1x1x128xi32, #tpu.memory_space<vmem>>
    %dma_wait3A_48 = tpu.memref_squeeze %dma_wait3A_47 : memref<1x1x128xi32, #tpu.memory_space<vmem>> -> memref<128xi32, #tpu.memory_space<vmem>>
    %dma_wait3A_49 = arith.constant 0 : i32
    %dma_wait3A_50 = arith.constant 0 : i32
    %dma_wait3A_51 = tpu.memref_slice %arg12[%dma_wait3A_49, %dma_wait3A_50] : memref<10112x16xf32, #tpu.memory_space<vmem_shared>> -> memref<10112x16xf32, #tpu.memory_space<vmem_shared>>
    tpu.wait_indirect_dma semaphore(%arg18 : memref<!tpu.dma_semaphore, #tpu.memory_space<semaphore_mem>>) src(%arg10 : memref<128x16xf32, #tpu.memory_space<vmem>>) dst(%dma_wait3A_51 : memref<10112x16xf32, #tpu.memory_space<vmem_shared>>)
    %dma_wait3A_52 = arith.constant 77 : i32
    %dma_wait3A_53 = arith.constant 1 : i32
    %dma_wait3A_54 = arith.constant 0 : i32
    %dma_wait3A_55 = tpu.memref_slice %arg8[%dma_wait3A_52, %dma_wait3A_53, %dma_wait3A_54] : memref<79x2x128xi32, #tpu.memory_space<vmem>> -> memref<1x1x128xi32, #tpu.memory_space<vmem>>
    %dma_wait3A_56 = tpu.memref_squeeze %dma_wait3A_55 : memref<1x1x128xi32, #tpu.memory_space<vmem>> -> memref<128xi32, #tpu.memory_space<vmem>>
    %dma_wait3A_57 = arith.constant 0 : i32
    %dma_wait3A_58 = arith.constant 0 : i32
    %dma_wait3A_59 = tpu.memref_slice %arg13[%dma_wait3A_57, %dma_wait3A_58] : memref<10112x16xf32, #tpu.memory_space<vmem_shared>> -> memref<10112x16xf32, #tpu.memory_space<vmem_shared>>
    tpu.wait_indirect_dma semaphore(%arg20 : memref<!tpu.dma_semaphore, #tpu.memory_space<semaphore_mem>>) src(%arg11 : memref<128x16xf32, #tpu.memory_space<vmem>>) dst(%dma_wait3A_59 : memref<10112x16xf32, #tpu.memory_space<vmem_shared>>)
    %lt3A_60 = arith.constant 4 : i32
    %lt3A_61 = arith.cmpi slt, %add3A, %lt3A_60 : i32
    %convert_element_type3A_62 = arith.extui %lt3A_61 : i1 to i32
    %cond3A_63 = arith.constant 0 : i32
    %cond3A_64 = arith.cmpi ne, %convert_element_type3A_62, %cond3A_63 : i32
    scf.if %cond3A_64 {
      %dma_start3A_66 = arith.constant 78 : i32
      %dma_start3A_67 = arith.constant 0 : i32
      %dma_start3A_68 = arith.constant 0 : i32
      %dma_start3A_69 = tpu.memref_slice %arg8[%dma_start3A_66, %dma_start3A_67, %dma_start3A_68] : memref<79x2x128xi32, #tpu.memory_space<vmem>> -> memref<1x1x128xi32, #tpu.memory_space<vmem>>
      %dma_start3A_70 = tpu.memref_squeeze %dma_start3A_69 : memref<1x1x128xi32, #tpu.memory_space<vmem>> -> memref<128xi32, #tpu.memory_space<vmem>>
      %dma_start3A_71 = arith.constant 0 : i32
      %dma_start3A_72 = arith.constant 0 : i32
      %dma_start3A_73 = tpu.memref_slice %arg14[%dma_start3A_71, %dma_start3A_72] : memref<10000x16xf32, #tpu.memory_space<vmem_shared>> -> memref<10000x16xf32, #tpu.memory_space<vmem_shared>>
      tpu.enqueue_indirect_dma source(%dma_start3A_73 : memref<10000x16xf32, #tpu.memory_space<vmem_shared>>) target(%arg9 : memref<128x16xf32, #tpu.memory_space<vmem>>) offsets(%dma_start3A_70 : memref<128xi32, #tpu.memory_space<vmem>>) semaphore(%arg15 : memref<!tpu.dma_semaphore, #tpu.memory_space<semaphore_mem>>)
      %dma_wait3A_74 = arith.constant 78 : i32
      %dma_wait3A_75 = arith.constant 0 : i32
      %dma_wait3A_76 = arith.constant 0 : i32
      %dma_wait3A_77 = tpu.memref_slice %arg8[%dma_wait3A_74, %dma_wait3A_75, %dma_wait3A_76] : memref<79x2x128xi32, #tpu.memory_space<vmem>> -> memref<1x1x128xi32, #tpu.memory_space<vmem>>
      %dma_wait3A_78 = tpu.memref_squeeze %dma_wait3A_77 : memref<1x1x128xi32, #tpu.memory_space<vmem>> -> memref<128xi32, #tpu.memory_space<vmem>>
      %dma_wait3A_79 = arith.constant 0 : i32
      %dma_wait3A_80 = arith.constant 0 : i32
      %dma_wait3A_81 = tpu.memref_slice %arg14[%dma_wait3A_79, %dma_wait3A_80] : memref<10000x16xf32, #tpu.memory_space<vmem_shared>> -> memref<10000x16xf32, #tpu.memory_space<vmem_shared>>
      tpu.wait_indirect_dma semaphore(%arg15 : memref<!tpu.dma_semaphore, #tpu.memory_space<semaphore_mem>>) src(%dma_wait3A_81 : memref<10000x16xf32, #tpu.memory_space<vmem_shared>>) dst(%arg9 : memref<128x16xf32, #tpu.memory_space<vmem>>)
      %dma_start3A_82 = arith.constant 78 : i32
      %dma_start3A_83 = arith.constant 1 : i32
      %dma_start3A_84 = arith.constant 0 : i32
      %dma_start3A_85 = tpu.memref_slice %arg8[%dma_start3A_82, %dma_start3A_83, %dma_start3A_84] : memref<79x2x128xi32, #tpu.memory_space<vmem>> -> memref<1x1x128xi32, #tpu.memory_space<vmem>>
      %dma_start3A_86 = tpu.memref_squeeze %dma_start3A_85 : memref<1x1x128xi32, #tpu.memory_space<vmem>> -> memref<128xi32, #tpu.memory_space<vmem>>
      %dma_start3A_87 = arith.constant 0 : i32
      %dma_start3A_88 = arith.constant 0 : i32
      %dma_start3A_89 = tpu.memref_slice %arg12[%dma_start3A_87, %dma_start3A_88] : memref<10112x16xf32, #tpu.memory_space<vmem_shared>> -> memref<10112x16xf32, #tpu.memory_space<vmem_shared>>
      tpu.enqueue_indirect_dma source(%arg9 : memref<128x16xf32, #tpu.memory_space<vmem>>) target(%dma_start3A_89 : memref<10112x16xf32, #tpu.memory_space<vmem_shared>>) offsets(%dma_start3A_86 : memref<128xi32, #tpu.memory_space<vmem>>) semaphore(%arg17 : memref<!tpu.dma_semaphore, #tpu.memory_space<semaphore_mem>>) {add = true}
      %dma_start3A_90 = arith.constant 78 : i32
      %dma_start3A_91 = arith.constant 1 : i32
      %dma_start3A_92 = arith.constant 0 : i32
      %dma_start3A_93 = tpu.memref_slice %arg8[%dma_start3A_90, %dma_start3A_91, %dma_start3A_92] : memref<79x2x128xi32, #tpu.memory_space<vmem>> -> memref<1x1x128xi32, #tpu.memory_space<vmem>>
      %dma_start3A_94 = tpu.memref_squeeze %dma_start3A_93 : memref<1x1x128xi32, #tpu.memory_space<vmem>> -> memref<128xi32, #tpu.memory_space<vmem>>
      %dma_start3A_95 = arith.constant 0 : i32
      %dma_start3A_96 = arith.constant 0 : i32
      %dma_start3A_97 = tpu.memref_slice %arg13[%dma_start3A_95, %dma_start3A_96] : memref<10112x16xf32, #tpu.memory_space<vmem_shared>> -> memref<10112x16xf32, #tpu.memory_space<vmem_shared>>
      tpu.enqueue_indirect_dma source(%arg11 : memref<128x16xf32, #tpu.memory_space<vmem>>) target(%dma_start3A_97 : memref<10112x16xf32, #tpu.memory_space<vmem_shared>>) offsets(%dma_start3A_94 : memref<128xi32, #tpu.memory_space<vmem>>) semaphore(%arg19 : memref<!tpu.dma_semaphore, #tpu.memory_space<semaphore_mem>>) {add = true}
      %dma_wait3A_98 = arith.constant 78 : i32
      %dma_wait3A_99 = arith.constant 1 : i32
      %dma_wait3A_100 = arith.constant 0 : i32
      %dma_wait3A_101 = tpu.memref_slice %arg8[%dma_wait3A_98, %dma_wait3A_99, %dma_wait3A_100] : memref<79x2x128xi32, #tpu.memory_space<vmem>> -> memref<1x1x128xi32, #tpu.memory_space<vmem>>
      %dma_wait3A_102 = tpu.memref_squeeze %dma_wait3A_101 : memref<1x1x128xi32, #tpu.memory_space<vmem>> -> memref<128xi32, #tpu.memory_space<vmem>>
      %dma_wait3A_103 = arith.constant 0 : i32
      %dma_wait3A_104 = arith.constant 0 : i32
      %dma_wait3A_105 = tpu.memref_slice %arg12[%dma_wait3A_103, %dma_wait3A_104] : memref<10112x16xf32, #tpu.memory_space<vmem_shared>> -> memref<10112x16xf32, #tpu.memory_space<vmem_shared>>
      tpu.wait_indirect_dma semaphore(%arg17 : memref<!tpu.dma_semaphore, #tpu.memory_space<semaphore_mem>>) src(%arg9 : memref<128x16xf32, #tpu.memory_space<vmem>>) dst(%dma_wait3A_105 : memref<10112x16xf32, #tpu.memory_space<vmem_shared>>)
      %dma_wait3A_106 = arith.constant 78 : i32
      %dma_wait3A_107 = arith.constant 1 : i32
      %dma_wait3A_108 = arith.constant 0 : i32
      %dma_wait3A_109 = tpu.memref_slice %arg8[%dma_wait3A_106, %dma_wait3A_107, %dma_wait3A_108] : memref<79x2x128xi32, #tpu.memory_space<vmem>> -> memref<1x1x128xi32, #tpu.memory_space<vmem>>
      %dma_wait3A_110 = tpu.memref_squeeze %dma_wait3A_109 : memref<1x1x128xi32, #tpu.memory_space<vmem>> -> memref<128xi32, #tpu.memory_space<vmem>>
      %dma_wait3A_111 = arith.constant 0 : i32
      %dma_wait3A_112 = arith.constant 0 : i32
      %dma_wait3A_113 = tpu.memref_slice %arg13[%dma_wait3A_111, %dma_wait3A_112] : memref<10112x16xf32, #tpu.memory_space<vmem_shared>> -> memref<10112x16xf32, #tpu.memory_space<vmem_shared>>
      tpu.wait_indirect_dma semaphore(%arg19 : memref<!tpu.dma_semaphore, #tpu.memory_space<semaphore_mem>>) src(%arg11 : memref<128x16xf32, #tpu.memory_space<vmem>>) dst(%dma_wait3A_113 : memref<10112x16xf32, #tpu.memory_space<vmem_shared>>)
    } else {
    }
    %barrier3A_65 = arith.constant 0 : index
    tpu.barrier barrier_id(%barrier3A_65)
    "tpu.region"() ({
      %run_scoped3A = tpu.sem_alloc : memref<!tpu.dma_semaphore, #tpu.memory_space<semaphore_mem>>
      %dma_start3A_66 = arith.constant 0 : i32
      %dma_start3A_67 = tpu.memref_slice %arg6[%arg0, %mul3A_6, %dma_start3A_66] : memref<2x10112x16xf32, #tpu.memory_space<hbm>> -> memref<1x632x16xf32, #tpu.memory_space<hbm>>
      %dma_start3A_68 = tpu.memref_squeeze %dma_start3A_67 : memref<1x632x16xf32, #tpu.memory_space<hbm>> -> memref<632x16xf32, #tpu.memory_space<hbm>>
      %dma_start3A_69 = arith.constant 0 : i32
      %dma_start3A_70 = tpu.memref_slice %arg12[%mul3A_6, %dma_start3A_69] : memref<10112x16xf32, #tpu.memory_space<vmem_shared>> -> memref<632x16xf32, #tpu.memory_space<vmem_shared>>
      tpu.enqueue_dma source(%dma_start3A_70 : memref<632x16xf32, #tpu.memory_space<vmem_shared>>) target(%dma_start3A_68 : memref<632x16xf32, #tpu.memory_space<hbm>>) target_semaphore(%run_scoped3A : memref<!tpu.dma_semaphore, #tpu.memory_space<semaphore_mem>>)
      %dma_wait3A_71 = arith.constant 0 : i32
      %dma_wait3A_72 = tpu.memref_slice %arg6[%arg0, %mul3A_6, %dma_wait3A_71] : memref<2x10112x16xf32, #tpu.memory_space<hbm>> -> memref<1x632x16xf32, #tpu.memory_space<hbm>>
      %dma_wait3A_73 = tpu.memref_squeeze %dma_wait3A_72 : memref<1x632x16xf32, #tpu.memory_space<hbm>> -> memref<632x16xf32, #tpu.memory_space<hbm>>
      %dma_wait3A_74 = arith.constant 0 : i32
      %dma_wait3A_75 = tpu.memref_slice %arg12[%mul3A_6, %dma_wait3A_74] : memref<10112x16xf32, #tpu.memory_space<vmem_shared>> -> memref<632x16xf32, #tpu.memory_space<vmem_shared>>
      tpu.wait_dma2 semaphore(%run_scoped3A : memref<!tpu.dma_semaphore, #tpu.memory_space<semaphore_mem>>) src(%dma_wait3A_75 : memref<632x16xf32, #tpu.memory_space<vmem_shared>>) dst(%dma_wait3A_73 : memref<632x16xf32, #tpu.memory_space<hbm>>)
      tpu.yield
    }) : () -> ()
    "tpu.region"() ({
      %run_scoped3A = tpu.sem_alloc : memref<!tpu.dma_semaphore, #tpu.memory_space<semaphore_mem>>
      %dma_start3A_66 = arith.constant 0 : i32
      %dma_start3A_67 = tpu.memref_slice %arg7[%arg0, %mul3A_6, %dma_start3A_66] : memref<2x10112x16xf32, #tpu.memory_space<hbm>> -> memref<1x632x16xf32, #tpu.memory_space<hbm>>
      %dma_start3A_68 = tpu.memref_squeeze %dma_start3A_67 : memref<1x632x16xf32, #tpu.memory_space<hbm>> -> memref<632x16xf32, #tpu.memory_space<hbm>>
      %dma_start3A_69 = arith.constant 0 : i32
      %dma_start3A_70 = tpu.memref_slice %arg13[%mul3A_6, %dma_start3A_69] : memref<10112x16xf32, #tpu.memory_space<vmem_shared>> -> memref<632x16xf32, #tpu.memory_space<vmem_shared>>
      tpu.enqueue_dma source(%dma_start3A_70 : memref<632x16xf32, #tpu.memory_space<vmem_shared>>) target(%dma_start3A_68 : memref<632x16xf32, #tpu.memory_space<hbm>>) target_semaphore(%run_scoped3A : memref<!tpu.dma_semaphore, #tpu.memory_space<semaphore_mem>>)
      %dma_wait3A_71 = arith.constant 0 : i32
      %dma_wait3A_72 = tpu.memref_slice %arg7[%arg0, %mul3A_6, %dma_wait3A_71] : memref<2x10112x16xf32, #tpu.memory_space<hbm>> -> memref<1x632x16xf32, #tpu.memory_space<hbm>>
      %dma_wait3A_73 = tpu.memref_squeeze %dma_wait3A_72 : memref<1x632x16xf32, #tpu.memory_space<hbm>> -> memref<632x16xf32, #tpu.memory_space<hbm>>
      %dma_wait3A_74 = arith.constant 0 : i32
      %dma_wait3A_75 = tpu.memref_slice %arg13[%mul3A_6, %dma_wait3A_74] : memref<10112x16xf32, #tpu.memory_space<vmem_shared>> -> memref<632x16xf32, #tpu.memory_space<vmem_shared>>
      tpu.wait_dma2 semaphore(%run_scoped3A : memref<!tpu.dma_semaphore, #tpu.memory_space<semaphore_mem>>) src(%dma_wait3A_75 : memref<632x16xf32, #tpu.memory_space<vmem_shared>>) dst(%dma_wait3A_73 : memref<632x16xf32, #tpu.memory_space<hbm>>)
      tpu.yield
    }) : () -> ()
    return
  }
}

#map = affine_map<(d0, d1) -> (0, 0)>
#map1 = affine_map<(d0, d1) -> (0, 0, 0)>
module attributes {stable_mosaic.version = 14 : i64} {
  func.func @_edge_pass_body(%arg0: i32, %arg1: i32, %arg2: memref<10112x16xf32, #tpu.memory_space<hbm>>, %arg3: memref<10000x16xf32, #tpu.memory_space<hbm>>, %arg4: memref<2500x2x128xi32, #tpu.memory_space<hbm>>, %arg5: memref<2x10112x16xf32, #tpu.memory_space<hbm>>, %arg6: memref<79x2x128xi32, #tpu.memory_space<vmem>>, %arg7: memref<128x16xf32, #tpu.memory_space<vmem>>, %arg8: memref<128x16xf32, #tpu.memory_space<vmem>>, %arg9: memref<10112x16xf32, #tpu.memory_space<vmem_shared>>, %arg10: memref<10000x16xf32, #tpu.memory_space<vmem_shared>>, %arg11: memref<!tpu.dma_semaphore, #tpu.memory_space<semaphore_mem>>, %arg12: memref<!tpu.dma_semaphore, #tpu.memory_space<semaphore_mem>>, %arg13: memref<!tpu.dma_semaphore, #tpu.memory_space<semaphore_mem>>, %arg14: memref<!tpu.dma_semaphore, #tpu.memory_space<semaphore_mem>>) attributes {dimension_semantics = [#tpu.dimension_semantics<core_parallel>, #tpu.dimension_semantics<subcore_parallel>], iteration_bounds = array<i64: 2, 16>, scalar_prefetch = 0 : i64, scratch_operands = 9 : i64, tpu.core_type = #tpu.core_type<sc_vector_subcore>, window_params = [{transform_indices = #map}, {transform_indices = #map}, {transform_indices = #map1}, {transform_indices = #map1}]} {
    %mul3A = arith.constant 16 : i32
    %mul3A_0 = arith.muli %arg0, %mul3A : i32
    %add3A = arith.addi %mul3A_0, %arg1 : i32
    %mul3A_1 = arith.constant 78 : i32
    %mul3A_2 = arith.muli %add3A, %mul3A_1 : i32
    "tpu.region"() ({
      %run_scoped3A = tpu.sem_alloc : memref<!tpu.dma_semaphore, #tpu.memory_space<semaphore_mem>>
      %dma_start3A_50 = arith.constant 0 : i32
      %dma_start3A_51 = arith.constant 0 : i32
      %dma_start3A_52 = arith.constant 0 : i32
      %dma_start3A_53 = tpu.memref_slice %arg6[%dma_start3A_50, %dma_start3A_51, %dma_start3A_52] : memref<79x2x128xi32, #tpu.memory_space<vmem>> -> memref<78x2x128xi32, #tpu.memory_space<vmem>>
      %dma_start3A_54 = arith.constant 0 : i32
      %dma_start3A_55 = arith.constant 0 : i32
      %dma_start3A_56 = tpu.memref_slice %arg4[%mul3A_2, %dma_start3A_54, %dma_start3A_55] : memref<2500x2x128xi32, #tpu.memory_space<hbm>> -> memref<78x2x128xi32, #tpu.memory_space<hbm>>
      %dma_start3A_57 = arith.constant 0 : i32
      %dma_start3A_58 = arith.constant 0 : i32
      %dma_start3A_59 = arith.constant 0 : i32
      %dma_start3A_60 = tpu.memref_slice %arg6[%dma_start3A_57, %dma_start3A_58, %dma_start3A_59] : memref<79x2x128xi32, #tpu.memory_space<vmem>> -> memref<78x2x128xi32, #tpu.memory_space<vmem>>
      %dma_start3A_61 = arith.constant 0 : i32
      %dma_start3A_62 = arith.constant 0 : i32
      %dma_start3A_63 = tpu.memref_slice %arg4[%mul3A_2, %dma_start3A_61, %dma_start3A_62] : memref<2500x2x128xi32, #tpu.memory_space<hbm>> -> memref<78x2x128xi32, #tpu.memory_space<hbm>>
      tpu.enqueue_dma source(%dma_start3A_63 : memref<78x2x128xi32, #tpu.memory_space<hbm>>) target(%dma_start3A_60 : memref<78x2x128xi32, #tpu.memory_space<vmem>>) target_semaphore(%run_scoped3A : memref<!tpu.dma_semaphore, #tpu.memory_space<semaphore_mem>>)
      %dma_wait3A_64 = arith.constant 0 : i32
      %dma_wait3A_65 = arith.constant 0 : i32
      %dma_wait3A_66 = arith.constant 0 : i32
      %dma_wait3A_67 = tpu.memref_slice %arg6[%dma_wait3A_64, %dma_wait3A_65, %dma_wait3A_66] : memref<79x2x128xi32, #tpu.memory_space<vmem>> -> memref<78x2x128xi32, #tpu.memory_space<vmem>>
      %dma_wait3A_68 = arith.constant 0 : i32
      %dma_wait3A_69 = arith.constant 0 : i32
      %dma_wait3A_70 = tpu.memref_slice %arg4[%mul3A_2, %dma_wait3A_68, %dma_wait3A_69] : memref<2500x2x128xi32, #tpu.memory_space<hbm>> -> memref<78x2x128xi32, #tpu.memory_space<hbm>>
      %dma_wait3A_71 = arith.constant 0 : i32
      %dma_wait3A_72 = arith.constant 0 : i32
      %dma_wait3A_73 = arith.constant 0 : i32
      %dma_wait3A_74 = tpu.memref_slice %arg6[%dma_wait3A_71, %dma_wait3A_72, %dma_wait3A_73] : memref<79x2x128xi32, #tpu.memory_space<vmem>> -> memref<78x2x128xi32, #tpu.memory_space<vmem>>
      %dma_wait3A_75 = arith.constant 0 : i32
      %dma_wait3A_76 = arith.constant 0 : i32
      %dma_wait3A_77 = tpu.memref_slice %arg4[%mul3A_2, %dma_wait3A_75, %dma_wait3A_76] : memref<2500x2x128xi32, #tpu.memory_space<hbm>> -> memref<78x2x128xi32, #tpu.memory_space<hbm>>
      tpu.wait_dma2 semaphore(%run_scoped3A : memref<!tpu.dma_semaphore, #tpu.memory_space<semaphore_mem>>) src(%dma_wait3A_77 : memref<78x2x128xi32, #tpu.memory_space<hbm>>) dst(%dma_wait3A_74 : memref<78x2x128xi32, #tpu.memory_space<vmem>>)
      tpu.yield
    }) : () -> ()
    %lt3A = arith.constant 4 : i32
    %lt3A_3 = arith.cmpi slt, %add3A, %lt3A : i32
    %convert_element_type3A = arith.extui %lt3A_3 : i1 to i32
    %cond3A = arith.constant 0 : i32
    %cond3A_4 = arith.cmpi ne, %convert_element_type3A, %cond3A : i32
    scf.if %cond3A_4 {
      %add3A_50 = arith.constant 2496 : i32
      %add3A_51 = arith.addi %add3A_50, %add3A : i32
      "tpu.region"() ({
        %run_scoped3A = tpu.sem_alloc : memref<!tpu.dma_semaphore, #tpu.memory_space<semaphore_mem>>
        %dma_start3A_52 = arith.constant 78 : i32
        %dma_start3A_53 = arith.constant 0 : i32
        %dma_start3A_54 = arith.constant 0 : i32
        %dma_start3A_55 = tpu.memref_slice %arg6[%dma_start3A_52, %dma_start3A_53, %dma_start3A_54] : memref<79x2x128xi32, #tpu.memory_space<vmem>> -> memref<1x2x128xi32, #tpu.memory_space<vmem>>
        %dma_start3A_56 = arith.constant 0 : i32
        %dma_start3A_57 = arith.constant 0 : i32
        %dma_start3A_58 = tpu.memref_slice %arg4[%add3A_51, %dma_start3A_56, %dma_start3A_57] : memref<2500x2x128xi32, #tpu.memory_space<hbm>> -> memref<1x2x128xi32, #tpu.memory_space<hbm>>
        %dma_start3A_59 = arith.constant 78 : i32
        %dma_start3A_60 = arith.constant 0 : i32
        %dma_start3A_61 = arith.constant 0 : i32
        %dma_start3A_62 = tpu.memref_slice %arg6[%dma_start3A_59, %dma_start3A_60, %dma_start3A_61] : memref<79x2x128xi32, #tpu.memory_space<vmem>> -> memref<1x2x128xi32, #tpu.memory_space<vmem>>
        %dma_start3A_63 = arith.constant 0 : i32
        %dma_start3A_64 = arith.constant 0 : i32
        %dma_start3A_65 = tpu.memref_slice %arg4[%add3A_51, %dma_start3A_63, %dma_start3A_64] : memref<2500x2x128xi32, #tpu.memory_space<hbm>> -> memref<1x2x128xi32, #tpu.memory_space<hbm>>
        tpu.enqueue_dma source(%dma_start3A_65 : memref<1x2x128xi32, #tpu.memory_space<hbm>>) target(%dma_start3A_62 : memref<1x2x128xi32, #tpu.memory_space<vmem>>) target_semaphore(%run_scoped3A : memref<!tpu.dma_semaphore, #tpu.memory_space<semaphore_mem>>)
        %dma_wait3A_66 = arith.constant 78 : i32
        %dma_wait3A_67 = arith.constant 0 : i32
        %dma_wait3A_68 = arith.constant 0 : i32
        %dma_wait3A_69 = tpu.memref_slice %arg6[%dma_wait3A_66, %dma_wait3A_67, %dma_wait3A_68] : memref<79x2x128xi32, #tpu.memory_space<vmem>> -> memref<1x2x128xi32, #tpu.memory_space<vmem>>
        %dma_wait3A_70 = arith.constant 0 : i32
        %dma_wait3A_71 = arith.constant 0 : i32
        %dma_wait3A_72 = tpu.memref_slice %arg4[%add3A_51, %dma_wait3A_70, %dma_wait3A_71] : memref<2500x2x128xi32, #tpu.memory_space<hbm>> -> memref<1x2x128xi32, #tpu.memory_space<hbm>>
        %dma_wait3A_73 = arith.constant 78 : i32
        %dma_wait3A_74 = arith.constant 0 : i32
        %dma_wait3A_75 = arith.constant 0 : i32
        %dma_wait3A_76 = tpu.memref_slice %arg6[%dma_wait3A_73, %dma_wait3A_74, %dma_wait3A_75] : memref<79x2x128xi32, #tpu.memory_space<vmem>> -> memref<1x2x128xi32, #tpu.memory_space<vmem>>
        %dma_wait3A_77 = arith.constant 0 : i32
        %dma_wait3A_78 = arith.constant 0 : i32
        %dma_wait3A_79 = tpu.memref_slice %arg4[%add3A_51, %dma_wait3A_77, %dma_wait3A_78] : memref<2500x2x128xi32, #tpu.memory_space<hbm>> -> memref<1x2x128xi32, #tpu.memory_space<hbm>>
        tpu.wait_dma2 semaphore(%run_scoped3A : memref<!tpu.dma_semaphore, #tpu.memory_space<semaphore_mem>>) src(%dma_wait3A_79 : memref<1x2x128xi32, #tpu.memory_space<hbm>>) dst(%dma_wait3A_76 : memref<1x2x128xi32, #tpu.memory_space<vmem>>)
        tpu.yield
      }) : () -> ()
    } else {
    }
    %mul3A_5 = arith.constant 632 : i32
    %mul3A_6 = arith.muli %arg1, %mul3A_5 : i32
    %mul3A_7 = arith.constant 625 : i32
    %mul3A_8 = arith.muli %arg1, %mul3A_7 : i32
    "tpu.region"() ({
      %run_scoped3A = tpu.sem_alloc : memref<!tpu.dma_semaphore, #tpu.memory_space<semaphore_mem>>
      %dma_start3A_50 = arith.constant 0 : i32
      %dma_start3A_51 = tpu.memref_slice %arg9[%mul3A_6, %dma_start3A_50] : memref<10112x16xf32, #tpu.memory_space<vmem_shared>> -> memref<632x16xf32, #tpu.memory_space<vmem_shared>>
      %dma_start3A_52 = arith.constant 0 : i32
      %dma_start3A_53 = tpu.memref_slice %arg2[%mul3A_6, %dma_start3A_52] : memref<10112x16xf32, #tpu.memory_space<hbm>> -> memref<632x16xf32, #tpu.memory_space<hbm>>
      tpu.enqueue_dma source(%dma_start3A_53 : memref<632x16xf32, #tpu.memory_space<hbm>>) target(%dma_start3A_51 : memref<632x16xf32, #tpu.memory_space<vmem_shared>>) target_semaphore(%run_scoped3A : memref<!tpu.dma_semaphore, #tpu.memory_space<semaphore_mem>>)
      %dma_wait3A_54 = arith.constant 0 : i32
      %dma_wait3A_55 = tpu.memref_slice %arg9[%mul3A_6, %dma_wait3A_54] : memref<10112x16xf32, #tpu.memory_space<vmem_shared>> -> memref<632x16xf32, #tpu.memory_space<vmem_shared>>
      %dma_wait3A_56 = arith.constant 0 : i32
      %dma_wait3A_57 = tpu.memref_slice %arg2[%mul3A_6, %dma_wait3A_56] : memref<10112x16xf32, #tpu.memory_space<hbm>> -> memref<632x16xf32, #tpu.memory_space<hbm>>
      tpu.wait_dma2 semaphore(%run_scoped3A : memref<!tpu.dma_semaphore, #tpu.memory_space<semaphore_mem>>) src(%dma_wait3A_57 : memref<632x16xf32, #tpu.memory_space<hbm>>) dst(%dma_wait3A_55 : memref<632x16xf32, #tpu.memory_space<vmem_shared>>)
      tpu.yield
    }) : () -> ()
    "tpu.region"() ({
      %run_scoped3A = tpu.sem_alloc : memref<!tpu.dma_semaphore, #tpu.memory_space<semaphore_mem>>
      %dma_start3A_50 = arith.constant 0 : i32
      %dma_start3A_51 = tpu.memref_slice %arg10[%mul3A_8, %dma_start3A_50] : memref<10000x16xf32, #tpu.memory_space<vmem_shared>> -> memref<625x16xf32, #tpu.memory_space<vmem_shared>>
      %dma_start3A_52 = arith.constant 0 : i32
      %dma_start3A_53 = tpu.memref_slice %arg3[%mul3A_8, %dma_start3A_52] : memref<10000x16xf32, #tpu.memory_space<hbm>> -> memref<625x16xf32, #tpu.memory_space<hbm>>
      tpu.enqueue_dma source(%dma_start3A_53 : memref<625x16xf32, #tpu.memory_space<hbm>>) target(%dma_start3A_51 : memref<625x16xf32, #tpu.memory_space<vmem_shared>>) target_semaphore(%run_scoped3A : memref<!tpu.dma_semaphore, #tpu.memory_space<semaphore_mem>>)
      %dma_wait3A_54 = arith.constant 0 : i32
      %dma_wait3A_55 = tpu.memref_slice %arg10[%mul3A_8, %dma_wait3A_54] : memref<10000x16xf32, #tpu.memory_space<vmem_shared>> -> memref<625x16xf32, #tpu.memory_space<vmem_shared>>
      %dma_wait3A_56 = arith.constant 0 : i32
      %dma_wait3A_57 = tpu.memref_slice %arg3[%mul3A_8, %dma_wait3A_56] : memref<10000x16xf32, #tpu.memory_space<hbm>> -> memref<625x16xf32, #tpu.memory_space<hbm>>
      tpu.wait_dma2 semaphore(%run_scoped3A : memref<!tpu.dma_semaphore, #tpu.memory_space<semaphore_mem>>) src(%dma_wait3A_57 : memref<625x16xf32, #tpu.memory_space<hbm>>) dst(%dma_wait3A_55 : memref<625x16xf32, #tpu.memory_space<vmem_shared>>)
      tpu.yield
    }) : () -> ()
    %barrier3A = arith.constant 0 : index
    tpu.barrier barrier_id(%barrier3A)
    %dma_start3A = arith.constant 0 : i32
    %dma_start3A_9 = arith.constant 0 : i32
    %dma_start3A_10 = arith.constant 0 : i32
    %dma_start3A_11 = tpu.memref_slice %arg6[%dma_start3A, %dma_start3A_9, %dma_start3A_10] : memref<79x2x128xi32, #tpu.memory_space<vmem>> -> memref<1x1x128xi32, #tpu.memory_space<vmem>>
    %dma_start3A_12 = tpu.memref_squeeze %dma_start3A_11 : memref<1x1x128xi32, #tpu.memory_space<vmem>> -> memref<128xi32, #tpu.memory_space<vmem>>
    %dma_start3A_13 = arith.constant 0 : i32
    %dma_start3A_14 = arith.constant 0 : i32
    %dma_start3A_15 = tpu.memref_slice %arg10[%dma_start3A_13, %dma_start3A_14] : memref<10000x16xf32, #tpu.memory_space<vmem_shared>> -> memref<10000x16xf32, #tpu.memory_space<vmem_shared>>
    tpu.enqueue_indirect_dma source(%dma_start3A_15 : memref<10000x16xf32, #tpu.memory_space<vmem_shared>>) target(%arg7 : memref<128x16xf32, #tpu.memory_space<vmem>>) offsets(%dma_start3A_12 : memref<128xi32, #tpu.memory_space<vmem>>) semaphore(%arg11 : memref<!tpu.dma_semaphore, #tpu.memory_space<semaphore_mem>>)
    %dma_start3A_16 = arith.constant 1 : i32
    %dma_start3A_17 = arith.constant 0 : i32
    %dma_start3A_18 = arith.constant 0 : i32
    %dma_start3A_19 = tpu.memref_slice %arg6[%dma_start3A_16, %dma_start3A_17, %dma_start3A_18] : memref<79x2x128xi32, #tpu.memory_space<vmem>> -> memref<1x1x128xi32, #tpu.memory_space<vmem>>
    %dma_start3A_20 = tpu.memref_squeeze %dma_start3A_19 : memref<1x1x128xi32, #tpu.memory_space<vmem>> -> memref<128xi32, #tpu.memory_space<vmem>>
    %dma_start3A_21 = arith.constant 0 : i32
    %dma_start3A_22 = arith.constant 0 : i32
    %dma_start3A_23 = tpu.memref_slice %arg10[%dma_start3A_21, %dma_start3A_22] : memref<10000x16xf32, #tpu.memory_space<vmem_shared>> -> memref<10000x16xf32, #tpu.memory_space<vmem_shared>>
    tpu.enqueue_indirect_dma source(%dma_start3A_23 : memref<10000x16xf32, #tpu.memory_space<vmem_shared>>) target(%arg8 : memref<128x16xf32, #tpu.memory_space<vmem>>) offsets(%dma_start3A_20 : memref<128xi32, #tpu.memory_space<vmem>>) semaphore(%arg12 : memref<!tpu.dma_semaphore, #tpu.memory_space<semaphore_mem>>)
    %scan3A = arith.constant 0 : i32
    %scan3A_24 = arith.constant 0 : i32
    %scan3A_25 = arith.constant 39 : i32
    %scan3A_26 = arith.addi %scan3A_24, %scan3A_25 : i32
    %scan3A_27 = arith.constant 1 : i32
    scf.for %scan3A_50 = %scan3A_24 to %scan3A_26 step %scan3A_27  : i32 {
      %mul3A_51 = arith.constant 2 : i32
      %mul3A_52 = arith.muli %mul3A_51, %scan3A_50 : i32
      %add3A_53 = arith.constant 1 : i32
      %add3A_54 = arith.addi %mul3A_52, %add3A_53 : i32
      %dma_wait3A_55 = arith.constant 0 : i32
      %dma_wait3A_56 = arith.constant 0 : i32
      %dma_wait3A_57 = tpu.memref_slice %arg6[%mul3A_52, %dma_wait3A_55, %dma_wait3A_56] : memref<79x2x128xi32, #tpu.memory_space<vmem>> -> memref<1x1x128xi32, #tpu.memory_space<vmem>>
      %dma_wait3A_58 = tpu.memref_squeeze %dma_wait3A_57 : memref<1x1x128xi32, #tpu.memory_space<vmem>> -> memref<128xi32, #tpu.memory_space<vmem>>
      %dma_wait3A_59 = arith.constant 0 : i32
      %dma_wait3A_60 = arith.constant 0 : i32
      %dma_wait3A_61 = tpu.memref_slice %arg10[%dma_wait3A_59, %dma_wait3A_60] : memref<10000x16xf32, #tpu.memory_space<vmem_shared>> -> memref<10000x16xf32, #tpu.memory_space<vmem_shared>>
      tpu.wait_indirect_dma semaphore(%arg11 : memref<!tpu.dma_semaphore, #tpu.memory_space<semaphore_mem>>) src(%dma_wait3A_61 : memref<10000x16xf32, #tpu.memory_space<vmem_shared>>) dst(%arg7 : memref<128x16xf32, #tpu.memory_space<vmem>>)
      %dma_start3A_62 = arith.constant 1 : i32
      %dma_start3A_63 = arith.constant 0 : i32
      %dma_start3A_64 = tpu.memref_slice %arg6[%mul3A_52, %dma_start3A_62, %dma_start3A_63] : memref<79x2x128xi32, #tpu.memory_space<vmem>> -> memref<1x1x128xi32, #tpu.memory_space<vmem>>
      %dma_start3A_65 = tpu.memref_squeeze %dma_start3A_64 : memref<1x1x128xi32, #tpu.memory_space<vmem>> -> memref<128xi32, #tpu.memory_space<vmem>>
      %dma_start3A_66 = arith.constant 0 : i32
      %dma_start3A_67 = arith.constant 0 : i32
      %dma_start3A_68 = tpu.memref_slice %arg9[%dma_start3A_66, %dma_start3A_67] : memref<10112x16xf32, #tpu.memory_space<vmem_shared>> -> memref<10112x16xf32, #tpu.memory_space<vmem_shared>>
      tpu.enqueue_indirect_dma source(%arg7 : memref<128x16xf32, #tpu.memory_space<vmem>>) target(%dma_start3A_68 : memref<10112x16xf32, #tpu.memory_space<vmem_shared>>) offsets(%dma_start3A_65 : memref<128xi32, #tpu.memory_space<vmem>>) semaphore(%arg13 : memref<!tpu.dma_semaphore, #tpu.memory_space<semaphore_mem>>) {add = true}
      %dma_wait3A_69 = arith.constant 0 : i32
      %dma_wait3A_70 = arith.constant 0 : i32
      %dma_wait3A_71 = tpu.memref_slice %arg6[%add3A_54, %dma_wait3A_69, %dma_wait3A_70] : memref<79x2x128xi32, #tpu.memory_space<vmem>> -> memref<1x1x128xi32, #tpu.memory_space<vmem>>
      %dma_wait3A_72 = tpu.memref_squeeze %dma_wait3A_71 : memref<1x1x128xi32, #tpu.memory_space<vmem>> -> memref<128xi32, #tpu.memory_space<vmem>>
      %dma_wait3A_73 = arith.constant 0 : i32
      %dma_wait3A_74 = arith.constant 0 : i32
      %dma_wait3A_75 = tpu.memref_slice %arg10[%dma_wait3A_73, %dma_wait3A_74] : memref<10000x16xf32, #tpu.memory_space<vmem_shared>> -> memref<10000x16xf32, #tpu.memory_space<vmem_shared>>
      tpu.wait_indirect_dma semaphore(%arg12 : memref<!tpu.dma_semaphore, #tpu.memory_space<semaphore_mem>>) src(%dma_wait3A_75 : memref<10000x16xf32, #tpu.memory_space<vmem_shared>>) dst(%arg8 : memref<128x16xf32, #tpu.memory_space<vmem>>)
      %dma_start3A_76 = arith.constant 1 : i32
      %dma_start3A_77 = arith.constant 0 : i32
      %dma_start3A_78 = tpu.memref_slice %arg6[%add3A_54, %dma_start3A_76, %dma_start3A_77] : memref<79x2x128xi32, #tpu.memory_space<vmem>> -> memref<1x1x128xi32, #tpu.memory_space<vmem>>
      %dma_start3A_79 = tpu.memref_squeeze %dma_start3A_78 : memref<1x1x128xi32, #tpu.memory_space<vmem>> -> memref<128xi32, #tpu.memory_space<vmem>>
      %dma_start3A_80 = arith.constant 0 : i32
      %dma_start3A_81 = arith.constant 0 : i32
      %dma_start3A_82 = tpu.memref_slice %arg9[%dma_start3A_80, %dma_start3A_81] : memref<10112x16xf32, #tpu.memory_space<vmem_shared>> -> memref<10112x16xf32, #tpu.memory_space<vmem_shared>>
      tpu.enqueue_indirect_dma source(%arg8 : memref<128x16xf32, #tpu.memory_space<vmem>>) target(%dma_start3A_82 : memref<10112x16xf32, #tpu.memory_space<vmem_shared>>) offsets(%dma_start3A_79 : memref<128xi32, #tpu.memory_space<vmem>>) semaphore(%arg14 : memref<!tpu.dma_semaphore, #tpu.memory_space<semaphore_mem>>) {add = true}
      %lt3A_83 = arith.constant 38 : i32
      %lt3A_84 = arith.cmpi slt, %scan3A_50, %lt3A_83 : i32
      %convert_element_type3A_85 = arith.extui %lt3A_84 : i1 to i32
      %cond3A_86 = arith.constant 0 : i32
      %cond3A_87 = arith.cmpi ne, %convert_element_type3A_85, %cond3A_86 : i32
      scf.if %cond3A_87 {
        %dma_wait3A_88 = arith.constant 1 : i32
        %dma_wait3A_89 = arith.constant 0 : i32
        %dma_wait3A_90 = tpu.memref_slice %arg6[%mul3A_52, %dma_wait3A_88, %dma_wait3A_89] : memref<79x2x128xi32, #tpu.memory_space<vmem>> -> memref<1x1x128xi32, #tpu.memory_space<vmem>>
        %dma_wait3A_91 = tpu.memref_squeeze %dma_wait3A_90 : memref<1x1x128xi32, #tpu.memory_space<vmem>> -> memref<128xi32, #tpu.memory_space<vmem>>
        %dma_wait3A_92 = arith.constant 0 : i32
        %dma_wait3A_93 = arith.constant 0 : i32
        %dma_wait3A_94 = tpu.memref_slice %arg9[%dma_wait3A_92, %dma_wait3A_93] : memref<10112x16xf32, #tpu.memory_space<vmem_shared>> -> memref<10112x16xf32, #tpu.memory_space<vmem_shared>>
        tpu.wait_indirect_dma semaphore(%arg13 : memref<!tpu.dma_semaphore, #tpu.memory_space<semaphore_mem>>) src(%arg7 : memref<128x16xf32, #tpu.memory_space<vmem>>) dst(%dma_wait3A_94 : memref<10112x16xf32, #tpu.memory_space<vmem_shared>>)
        %add3A_95 = arith.constant 2 : i32
        %add3A_96 = arith.addi %mul3A_52, %add3A_95 : i32
        %dma_start3A_97 = arith.constant 0 : i32
        %dma_start3A_98 = arith.constant 0 : i32
        %dma_start3A_99 = tpu.memref_slice %arg6[%add3A_96, %dma_start3A_97, %dma_start3A_98] : memref<79x2x128xi32, #tpu.memory_space<vmem>> -> memref<1x1x128xi32, #tpu.memory_space<vmem>>
        %dma_start3A_100 = tpu.memref_squeeze %dma_start3A_99 : memref<1x1x128xi32, #tpu.memory_space<vmem>> -> memref<128xi32, #tpu.memory_space<vmem>>
        %dma_start3A_101 = arith.constant 0 : i32
        %dma_start3A_102 = arith.constant 0 : i32
        %dma_start3A_103 = tpu.memref_slice %arg10[%dma_start3A_101, %dma_start3A_102] : memref<10000x16xf32, #tpu.memory_space<vmem_shared>> -> memref<10000x16xf32, #tpu.memory_space<vmem_shared>>
        tpu.enqueue_indirect_dma source(%dma_start3A_103 : memref<10000x16xf32, #tpu.memory_space<vmem_shared>>) target(%arg7 : memref<128x16xf32, #tpu.memory_space<vmem>>) offsets(%dma_start3A_100 : memref<128xi32, #tpu.memory_space<vmem>>) semaphore(%arg11 : memref<!tpu.dma_semaphore, #tpu.memory_space<semaphore_mem>>)
        %dma_wait3A_104 = arith.constant 1 : i32
        %dma_wait3A_105 = arith.constant 0 : i32
        %dma_wait3A_106 = tpu.memref_slice %arg6[%add3A_54, %dma_wait3A_104, %dma_wait3A_105] : memref<79x2x128xi32, #tpu.memory_space<vmem>> -> memref<1x1x128xi32, #tpu.memory_space<vmem>>
        %dma_wait3A_107 = tpu.memref_squeeze %dma_wait3A_106 : memref<1x1x128xi32, #tpu.memory_space<vmem>> -> memref<128xi32, #tpu.memory_space<vmem>>
        %dma_wait3A_108 = arith.constant 0 : i32
        %dma_wait3A_109 = arith.constant 0 : i32
        %dma_wait3A_110 = tpu.memref_slice %arg9[%dma_wait3A_108, %dma_wait3A_109] : memref<10112x16xf32, #tpu.memory_space<vmem_shared>> -> memref<10112x16xf32, #tpu.memory_space<vmem_shared>>
        tpu.wait_indirect_dma semaphore(%arg14 : memref<!tpu.dma_semaphore, #tpu.memory_space<semaphore_mem>>) src(%arg8 : memref<128x16xf32, #tpu.memory_space<vmem>>) dst(%dma_wait3A_110 : memref<10112x16xf32, #tpu.memory_space<vmem_shared>>)
        %add3A_111 = arith.constant 2 : i32
        %add3A_112 = arith.addi %add3A_54, %add3A_111 : i32
        %dma_start3A_113 = arith.constant 0 : i32
        %dma_start3A_114 = arith.constant 0 : i32
        %dma_start3A_115 = tpu.memref_slice %arg6[%add3A_112, %dma_start3A_113, %dma_start3A_114] : memref<79x2x128xi32, #tpu.memory_space<vmem>> -> memref<1x1x128xi32, #tpu.memory_space<vmem>>
        %dma_start3A_116 = tpu.memref_squeeze %dma_start3A_115 : memref<1x1x128xi32, #tpu.memory_space<vmem>> -> memref<128xi32, #tpu.memory_space<vmem>>
        %dma_start3A_117 = arith.constant 0 : i32
        %dma_start3A_118 = arith.constant 0 : i32
        %dma_start3A_119 = tpu.memref_slice %arg10[%dma_start3A_117, %dma_start3A_118] : memref<10000x16xf32, #tpu.memory_space<vmem_shared>> -> memref<10000x16xf32, #tpu.memory_space<vmem_shared>>
        tpu.enqueue_indirect_dma source(%dma_start3A_119 : memref<10000x16xf32, #tpu.memory_space<vmem_shared>>) target(%arg8 : memref<128x16xf32, #tpu.memory_space<vmem>>) offsets(%dma_start3A_116 : memref<128xi32, #tpu.memory_space<vmem>>) semaphore(%arg12 : memref<!tpu.dma_semaphore, #tpu.memory_space<semaphore_mem>>)
      } else {
      }
    }
    %scan3A_28 = arith.constant 39 : i32
    %dma_wait3A = arith.constant 76 : i32
    %dma_wait3A_29 = arith.constant 1 : i32
    %dma_wait3A_30 = arith.constant 0 : i32
    %dma_wait3A_31 = tpu.memref_slice %arg6[%dma_wait3A, %dma_wait3A_29, %dma_wait3A_30] : memref<79x2x128xi32, #tpu.memory_space<vmem>> -> memref<1x1x128xi32, #tpu.memory_space<vmem>>
    %dma_wait3A_32 = tpu.memref_squeeze %dma_wait3A_31 : memref<1x1x128xi32, #tpu.memory_space<vmem>> -> memref<128xi32, #tpu.memory_space<vmem>>
    %dma_wait3A_33 = arith.constant 0 : i32
    %dma_wait3A_34 = arith.constant 0 : i32
    %dma_wait3A_35 = tpu.memref_slice %arg9[%dma_wait3A_33, %dma_wait3A_34] : memref<10112x16xf32, #tpu.memory_space<vmem_shared>> -> memref<10112x16xf32, #tpu.memory_space<vmem_shared>>
    tpu.wait_indirect_dma semaphore(%arg13 : memref<!tpu.dma_semaphore, #tpu.memory_space<semaphore_mem>>) src(%arg7 : memref<128x16xf32, #tpu.memory_space<vmem>>) dst(%dma_wait3A_35 : memref<10112x16xf32, #tpu.memory_space<vmem_shared>>)
    %dma_wait3A_36 = arith.constant 77 : i32
    %dma_wait3A_37 = arith.constant 1 : i32
    %dma_wait3A_38 = arith.constant 0 : i32
    %dma_wait3A_39 = tpu.memref_slice %arg6[%dma_wait3A_36, %dma_wait3A_37, %dma_wait3A_38] : memref<79x2x128xi32, #tpu.memory_space<vmem>> -> memref<1x1x128xi32, #tpu.memory_space<vmem>>
    %dma_wait3A_40 = tpu.memref_squeeze %dma_wait3A_39 : memref<1x1x128xi32, #tpu.memory_space<vmem>> -> memref<128xi32, #tpu.memory_space<vmem>>
    %dma_wait3A_41 = arith.constant 0 : i32
    %dma_wait3A_42 = arith.constant 0 : i32
    %dma_wait3A_43 = tpu.memref_slice %arg9[%dma_wait3A_41, %dma_wait3A_42] : memref<10112x16xf32, #tpu.memory_space<vmem_shared>> -> memref<10112x16xf32, #tpu.memory_space<vmem_shared>>
    tpu.wait_indirect_dma semaphore(%arg14 : memref<!tpu.dma_semaphore, #tpu.memory_space<semaphore_mem>>) src(%arg8 : memref<128x16xf32, #tpu.memory_space<vmem>>) dst(%dma_wait3A_43 : memref<10112x16xf32, #tpu.memory_space<vmem_shared>>)
    %lt3A_44 = arith.constant 4 : i32
    %lt3A_45 = arith.cmpi slt, %add3A, %lt3A_44 : i32
    %convert_element_type3A_46 = arith.extui %lt3A_45 : i1 to i32
    %cond3A_47 = arith.constant 0 : i32
    %cond3A_48 = arith.cmpi ne, %convert_element_type3A_46, %cond3A_47 : i32
    scf.if %cond3A_48 {
      %dma_start3A_50 = arith.constant 78 : i32
      %dma_start3A_51 = arith.constant 0 : i32
      %dma_start3A_52 = arith.constant 0 : i32
      %dma_start3A_53 = tpu.memref_slice %arg6[%dma_start3A_50, %dma_start3A_51, %dma_start3A_52] : memref<79x2x128xi32, #tpu.memory_space<vmem>> -> memref<1x1x128xi32, #tpu.memory_space<vmem>>
      %dma_start3A_54 = tpu.memref_squeeze %dma_start3A_53 : memref<1x1x128xi32, #tpu.memory_space<vmem>> -> memref<128xi32, #tpu.memory_space<vmem>>
      %dma_start3A_55 = arith.constant 0 : i32
      %dma_start3A_56 = arith.constant 0 : i32
      %dma_start3A_57 = tpu.memref_slice %arg10[%dma_start3A_55, %dma_start3A_56] : memref<10000x16xf32, #tpu.memory_space<vmem_shared>> -> memref<10000x16xf32, #tpu.memory_space<vmem_shared>>
      tpu.enqueue_indirect_dma source(%dma_start3A_57 : memref<10000x16xf32, #tpu.memory_space<vmem_shared>>) target(%arg7 : memref<128x16xf32, #tpu.memory_space<vmem>>) offsets(%dma_start3A_54 : memref<128xi32, #tpu.memory_space<vmem>>) semaphore(%arg11 : memref<!tpu.dma_semaphore, #tpu.memory_space<semaphore_mem>>)
      %dma_wait3A_58 = arith.constant 78 : i32
      %dma_wait3A_59 = arith.constant 0 : i32
      %dma_wait3A_60 = arith.constant 0 : i32
      %dma_wait3A_61 = tpu.memref_slice %arg6[%dma_wait3A_58, %dma_wait3A_59, %dma_wait3A_60] : memref<79x2x128xi32, #tpu.memory_space<vmem>> -> memref<1x1x128xi32, #tpu.memory_space<vmem>>
      %dma_wait3A_62 = tpu.memref_squeeze %dma_wait3A_61 : memref<1x1x128xi32, #tpu.memory_space<vmem>> -> memref<128xi32, #tpu.memory_space<vmem>>
      %dma_wait3A_63 = arith.constant 0 : i32
      %dma_wait3A_64 = arith.constant 0 : i32
      %dma_wait3A_65 = tpu.memref_slice %arg10[%dma_wait3A_63, %dma_wait3A_64] : memref<10000x16xf32, #tpu.memory_space<vmem_shared>> -> memref<10000x16xf32, #tpu.memory_space<vmem_shared>>
      tpu.wait_indirect_dma semaphore(%arg11 : memref<!tpu.dma_semaphore, #tpu.memory_space<semaphore_mem>>) src(%dma_wait3A_65 : memref<10000x16xf32, #tpu.memory_space<vmem_shared>>) dst(%arg7 : memref<128x16xf32, #tpu.memory_space<vmem>>)
      %dma_start3A_66 = arith.constant 78 : i32
      %dma_start3A_67 = arith.constant 1 : i32
      %dma_start3A_68 = arith.constant 0 : i32
      %dma_start3A_69 = tpu.memref_slice %arg6[%dma_start3A_66, %dma_start3A_67, %dma_start3A_68] : memref<79x2x128xi32, #tpu.memory_space<vmem>> -> memref<1x1x128xi32, #tpu.memory_space<vmem>>
      %dma_start3A_70 = tpu.memref_squeeze %dma_start3A_69 : memref<1x1x128xi32, #tpu.memory_space<vmem>> -> memref<128xi32, #tpu.memory_space<vmem>>
      %dma_start3A_71 = arith.constant 0 : i32
      %dma_start3A_72 = arith.constant 0 : i32
      %dma_start3A_73 = tpu.memref_slice %arg9[%dma_start3A_71, %dma_start3A_72] : memref<10112x16xf32, #tpu.memory_space<vmem_shared>> -> memref<10112x16xf32, #tpu.memory_space<vmem_shared>>
      tpu.enqueue_indirect_dma source(%arg7 : memref<128x16xf32, #tpu.memory_space<vmem>>) target(%dma_start3A_73 : memref<10112x16xf32, #tpu.memory_space<vmem_shared>>) offsets(%dma_start3A_70 : memref<128xi32, #tpu.memory_space<vmem>>) semaphore(%arg13 : memref<!tpu.dma_semaphore, #tpu.memory_space<semaphore_mem>>) {add = true}
      %dma_wait3A_74 = arith.constant 78 : i32
      %dma_wait3A_75 = arith.constant 1 : i32
      %dma_wait3A_76 = arith.constant 0 : i32
      %dma_wait3A_77 = tpu.memref_slice %arg6[%dma_wait3A_74, %dma_wait3A_75, %dma_wait3A_76] : memref<79x2x128xi32, #tpu.memory_space<vmem>> -> memref<1x1x128xi32, #tpu.memory_space<vmem>>
      %dma_wait3A_78 = tpu.memref_squeeze %dma_wait3A_77 : memref<1x1x128xi32, #tpu.memory_space<vmem>> -> memref<128xi32, #tpu.memory_space<vmem>>
      %dma_wait3A_79 = arith.constant 0 : i32
      %dma_wait3A_80 = arith.constant 0 : i32
      %dma_wait3A_81 = tpu.memref_slice %arg9[%dma_wait3A_79, %dma_wait3A_80] : memref<10112x16xf32, #tpu.memory_space<vmem_shared>> -> memref<10112x16xf32, #tpu.memory_space<vmem_shared>>
      tpu.wait_indirect_dma semaphore(%arg13 : memref<!tpu.dma_semaphore, #tpu.memory_space<semaphore_mem>>) src(%arg7 : memref<128x16xf32, #tpu.memory_space<vmem>>) dst(%dma_wait3A_81 : memref<10112x16xf32, #tpu.memory_space<vmem_shared>>)
    } else {
    }
    %barrier3A_49 = arith.constant 0 : index
    tpu.barrier barrier_id(%barrier3A_49)
    "tpu.region"() ({
      %run_scoped3A = tpu.sem_alloc : memref<!tpu.dma_semaphore, #tpu.memory_space<semaphore_mem>>
      %dma_start3A_50 = arith.constant 0 : i32
      %dma_start3A_51 = tpu.memref_slice %arg5[%arg0, %mul3A_6, %dma_start3A_50] : memref<2x10112x16xf32, #tpu.memory_space<hbm>> -> memref<1x632x16xf32, #tpu.memory_space<hbm>>
      %dma_start3A_52 = tpu.memref_squeeze %dma_start3A_51 : memref<1x632x16xf32, #tpu.memory_space<hbm>> -> memref<632x16xf32, #tpu.memory_space<hbm>>
      %dma_start3A_53 = arith.constant 0 : i32
      %dma_start3A_54 = tpu.memref_slice %arg9[%mul3A_6, %dma_start3A_53] : memref<10112x16xf32, #tpu.memory_space<vmem_shared>> -> memref<632x16xf32, #tpu.memory_space<vmem_shared>>
      tpu.enqueue_dma source(%dma_start3A_54 : memref<632x16xf32, #tpu.memory_space<vmem_shared>>) target(%dma_start3A_52 : memref<632x16xf32, #tpu.memory_space<hbm>>) target_semaphore(%run_scoped3A : memref<!tpu.dma_semaphore, #tpu.memory_space<semaphore_mem>>)
      %dma_wait3A_55 = arith.constant 0 : i32
      %dma_wait3A_56 = tpu.memref_slice %arg5[%arg0, %mul3A_6, %dma_wait3A_55] : memref<2x10112x16xf32, #tpu.memory_space<hbm>> -> memref<1x632x16xf32, #tpu.memory_space<hbm>>
      %dma_wait3A_57 = tpu.memref_squeeze %dma_wait3A_56 : memref<1x632x16xf32, #tpu.memory_space<hbm>> -> memref<632x16xf32, #tpu.memory_space<hbm>>
      %dma_wait3A_58 = arith.constant 0 : i32
      %dma_wait3A_59 = tpu.memref_slice %arg9[%mul3A_6, %dma_wait3A_58] : memref<10112x16xf32, #tpu.memory_space<vmem_shared>> -> memref<632x16xf32, #tpu.memory_space<vmem_shared>>
      tpu.wait_dma2 semaphore(%run_scoped3A : memref<!tpu.dma_semaphore, #tpu.memory_space<semaphore_mem>>) src(%dma_wait3A_59 : memref<632x16xf32, #tpu.memory_space<vmem_shared>>) dst(%dma_wait3A_57 : memref<632x16xf32, #tpu.memory_space<hbm>>)
      tpu.yield
    }) : () -> ()
    return
  }
}

module attributes {stable_mosaic.version = 14 : i64} {
  func.func @_out_body(%arg0: memref<2x1264x128xf32, #tpu.memory_space<vmem>>, %arg1: memref<1250x128xf32, #tpu.memory_space<vmem>>, %arg2: memref<1250x128xf32, #tpu.memory_space<vmem>>, %arg3: memref<8x16xf32, #tpu.memory_space<vmem>>, %arg4: memref<8x16xf32, #tpu.memory_space<vmem>>, %arg5: memref<1x8xf32, #tpu.memory_space<vmem>>, %arg6: memref<8x1xf32, #tpu.memory_space<vmem>>, %arg7: memref<1x1xf32, #tpu.memory_space<vmem>>, %arg8: memref<1250x8xf32, #tpu.memory_space<vmem>>) attributes {dimension_semantics = [], scalar_prefetch = 0 : i64, scratch_operands = 0 : i64, tpu.core_type = #tpu.core_type<tc>} {
    %get3A = arith.constant 0 : index
    %get3A_0 = arith.constant 0 : index
    %get3A_1 = vector.load %arg2[%get3A, %get3A_0] : memref<1250x128xf32, #tpu.memory_space<vmem>>, vector<1250x128xf32>
    %get3A_2 = arith.constant 0 : index
    %get3A_3 = arith.constant 0 : index
    %get3A_4 = arith.constant 0 : index
    %get3A_5 = vector.load %arg0[%get3A_2, %get3A_3, %get3A_4] : memref<2x1264x128xf32, #tpu.memory_space<vmem>>, vector<1x1250x128xf32>
    %get3A_6 = vector.shape_cast %get3A_5 : vector<1x1250x128xf32> to vector<1250x128xf32>
    %get3A_7 = arith.constant 1 : index
    %get3A_8 = arith.constant 0 : index
    %get3A_9 = arith.constant 0 : index
    %get3A_10 = vector.load %arg0[%get3A_7, %get3A_8, %get3A_9] : memref<2x1264x128xf32, #tpu.memory_space<vmem>>, vector<1x1250x128xf32>
    %get3A_11 = vector.shape_cast %get3A_10 : vector<1x1250x128xf32> to vector<1250x128xf32>
    %add3A = arith.addf %get3A_6, %get3A_11 : vector<1250x128xf32>
    %get3A_12 = arith.constant 0 : index
    %get3A_13 = arith.constant 0 : index
    %get3A_14 = vector.load %arg1[%get3A_12, %get3A_13] : memref<1250x128xf32, #tpu.memory_space<vmem>>, vector<1250x128xf32>
    %mul3A = arith.mulf %add3A, %get3A_14 : vector<1250x128xf32>
    %get3A_15 = arith.constant 0 : index
    %get3A_16 = arith.constant 0 : index
    %get3A_17 = vector.load %arg6[%get3A_15, %get3A_16] : memref<8x1xf32, #tpu.memory_space<vmem>>, vector<8x1xf32>
    %get3A_18 = arith.constant 0 : index
    %get3A_19 = arith.constant 0 : index
    %get3A_20 = vector.load %arg3[%get3A_18, %get3A_19] : memref<8x16xf32, #tpu.memory_space<vmem>>, vector<8x16xf32>
    %transpose3A = tpu.transpose %get3A_20, [1, 0] : vector<8x16xf32> -> vector<16x8xf32>
    %dot_general3A = arith.constant dense<0.000000e+00> : vector<16x1xf32>
    %dot_general3A_21 = tpu.matmul %transpose3A, %get3A_17, %dot_general3A {dimension_numbers = #tpu.dot_dimension_numbers<[1], [0], [0], [1], [0, 0, 1, 1], [], []>, transpose_lhs_hint = false} : vector<16x8xf32>, vector<8x1xf32>, vector<16x1xf32> -> vector<16x1xf32>
    %get3A_22 = arith.constant 0 : index
    %get3A_23 = arith.constant 0 : index
    %get3A_24 = vector.load %arg4[%get3A_22, %get3A_23] : memref<8x16xf32, #tpu.memory_space<vmem>>, vector<8x16xf32>
    %transpose3A_25 = tpu.transpose %get3A_24, [1, 0] : vector<8x16xf32> -> vector<16x8xf32>
    %dot_general3A_26 = arith.constant dense<0.000000e+00> : vector<16x1xf32>
    %dot_general3A_27 = tpu.matmul %transpose3A_25, %get3A_17, %dot_general3A_26 {dimension_numbers = #tpu.dot_dimension_numbers<[1], [0], [0], [1], [0, 0, 1, 1], [], []>, transpose_lhs_hint = false} : vector<16x8xf32>, vector<8x1xf32>, vector<16x1xf32> -> vector<16x1xf32>
    %get3A_28 = arith.constant 0 : index
    %get3A_29 = arith.constant 0 : index
    %get3A_30 = vector.load %arg5[%get3A_28, %get3A_29] : memref<1x8xf32, #tpu.memory_space<vmem>>, vector<1x8xf32>
    %dot_general3A_31 = arith.constant dense<0.000000e+00> : vector<1x1xf32>
    %dot_general3A_32 = tpu.matmul %get3A_30, %get3A_17, %dot_general3A_31 {dimension_numbers = #tpu.dot_dimension_numbers<[1], [0], [0], [1], [0, 0, 1, 1], [], []>, transpose_lhs_hint = false} : vector<1x8xf32>, vector<8x1xf32>, vector<1x1xf32> -> vector<1x1xf32>
    %get3A_33 = arith.constant 0 : index
    %get3A_34 = arith.constant 0 : index
    %get3A_35 = vector.load %arg7[%get3A_33, %get3A_34] : memref<1x1xf32, #tpu.memory_space<vmem>>, vector<1x1xf32>
    %add3A_36 = arith.addf %dot_general3A_32, %get3A_35 : vector<1x1xf32>
    %iota3A = tpu.iota {dimensions = array<i32: 0>} : vector<128x8xi32>
    %iota3A_37 = tpu.iota {dimensions = array<i32: 1>} : vector<128x8xi32>
    %concatenate3A = tpu.concatenate %dot_general3A_21, %dot_general3A_21, %dot_general3A_21, %dot_general3A_21, %dot_general3A_21, %dot_general3A_21, %dot_general3A_21, %dot_general3A_21 in 0 : vector<16x1xf32>, vector<16x1xf32>, vector<16x1xf32>, vector<16x1xf32>, vector<16x1xf32>, vector<16x1xf32>, vector<16x1xf32>, vector<16x1xf32> -> vector<128x1xf32>
    %concatenate3A_38 = tpu.concatenate %dot_general3A_27, %dot_general3A_27, %dot_general3A_27, %dot_general3A_27, %dot_general3A_27, %dot_general3A_27, %dot_general3A_27, %dot_general3A_27 in 0 : vector<16x1xf32>, vector<16x1xf32>, vector<16x1xf32>, vector<16x1xf32>, vector<16x1xf32>, vector<16x1xf32>, vector<16x1xf32>, vector<16x1xf32> -> vector<128x1xf32>
    %jit3A = arith.constant 16 : i32
    %div3A = vector.broadcast %jit3A : i32 to vector<128x8xi32>
    %div3A_39 = arith.divsi %iota3A, %div3A : vector<128x8xi32>
    %sign3A = arith.constant 0 : i32
    %sign3A_40 = vector.broadcast %sign3A : i32 to vector<128x8xi32>
    %sign3A_41 = arith.cmpi sgt, %iota3A, %sign3A_40 : vector<128x8xi32>
    %sign3A_42 = arith.extui %sign3A_41 : vector<128x8xi1> to vector<128x8xi32>
    %sign3A_43 = arith.constant 0 : i32
    %sign3A_44 = vector.broadcast %sign3A_43 : i32 to vector<128x8xi32>
    %sign3A_45 = arith.cmpi slt, %iota3A, %sign3A_44 : vector<128x8xi32>
    %sign3A_46 = arith.extui %sign3A_45 : vector<128x8xi1> to vector<128x8xi32>
    %sign3A_47 = arith.subi %sign3A_42, %sign3A_46 : vector<128x8xi32>
    %sign3A_48 = arith.constant 0 : i32
    %sign3A_49 = arith.cmpi sgt, %jit3A, %sign3A_48 : i32
    %sign3A_50 = arith.extui %sign3A_49 : i1 to i32
    %sign3A_51 = arith.constant 0 : i32
    %sign3A_52 = arith.cmpi slt, %jit3A, %sign3A_51 : i32
    %sign3A_53 = arith.extui %sign3A_52 : i1 to i32
    %sign3A_54 = arith.subi %sign3A_50, %sign3A_53 : i32
    %ne3A = vector.broadcast %sign3A_54 : i32 to vector<128x8xi32>
    %ne3A_55 = arith.cmpi ne, %sign3A_47, %ne3A : vector<128x8xi32>
    %rem3A = vector.broadcast %jit3A : i32 to vector<128x8xi32>
    %rem3A_56 = arith.remsi %iota3A, %rem3A : vector<128x8xi32>
    %ne3A_57 = arith.constant 0 : i32
    %ne3A_58 = vector.broadcast %ne3A_57 : i32 to vector<128x8xi32>
    %ne3A_59 = arith.cmpi ne, %rem3A_56, %ne3A_58 : vector<128x8xi32>
    %and3A = arith.andi %ne3A_55, %ne3A_59 : vector<128x8xi1>
    %sub3A = arith.constant 1 : i32
    %sub3A_60 = vector.broadcast %sub3A : i32 to vector<128x8xi32>
    %sub3A_61 = arith.subi %div3A_39, %sub3A_60 : vector<128x8xi32>
    %select_n3A = arith.select %and3A, %sub3A_61, %div3A_39 : vector<128x8xi1>, vector<128x8xi32>
    %eq3A = arith.cmpi eq, %select_n3A, %iota3A_37 : vector<128x8xi32>
    %jit3A_62 = arith.constant 0.000000e+00 : f32
    %broadcast_in_dim3A = vector.shape_cast %concatenate3A : vector<128x1xf32> to vector<128x1xf32>
    %broadcast_in_dim3A_63 = vector.broadcast %broadcast_in_dim3A : vector<128x1xf32> to vector<128x8xf32>
    %broadcast_in_dim3A_64 = vector.broadcast %jit3A_62 : f32 to vector<128x8xf32>
    %select_n3A_65 = arith.select %eq3A, %broadcast_in_dim3A_63, %broadcast_in_dim3A_64 : vector<128x8xi1>, vector<128x8xf32>
    %jit3A_66 = arith.constant 16 : i32
    %div3A_67 = vector.broadcast %jit3A_66 : i32 to vector<128x8xi32>
    %div3A_68 = arith.divsi %iota3A, %div3A_67 : vector<128x8xi32>
    %sign3A_69 = arith.constant 0 : i32
    %sign3A_70 = vector.broadcast %sign3A_69 : i32 to vector<128x8xi32>
    %sign3A_71 = arith.cmpi sgt, %iota3A, %sign3A_70 : vector<128x8xi32>
    %sign3A_72 = arith.extui %sign3A_71 : vector<128x8xi1> to vector<128x8xi32>
    %sign3A_73 = arith.constant 0 : i32
    %sign3A_74 = vector.broadcast %sign3A_73 : i32 to vector<128x8xi32>
    %sign3A_75 = arith.cmpi slt, %iota3A, %sign3A_74 : vector<128x8xi32>
    %sign3A_76 = arith.extui %sign3A_75 : vector<128x8xi1> to vector<128x8xi32>
    %sign3A_77 = arith.subi %sign3A_72, %sign3A_76 : vector<128x8xi32>
    %sign3A_78 = arith.constant 0 : i32
    %sign3A_79 = arith.cmpi sgt, %jit3A_66, %sign3A_78 : i32
    %sign3A_80 = arith.extui %sign3A_79 : i1 to i32
    %sign3A_81 = arith.constant 0 : i32
    %sign3A_82 = arith.cmpi slt, %jit3A_66, %sign3A_81 : i32
    %sign3A_83 = arith.extui %sign3A_82 : i1 to i32
    %sign3A_84 = arith.subi %sign3A_80, %sign3A_83 : i32
    %ne3A_85 = vector.broadcast %sign3A_84 : i32 to vector<128x8xi32>
    %ne3A_86 = arith.cmpi ne, %sign3A_77, %ne3A_85 : vector<128x8xi32>
    %rem3A_87 = vector.broadcast %jit3A_66 : i32 to vector<128x8xi32>
    %rem3A_88 = arith.remsi %iota3A, %rem3A_87 : vector<128x8xi32>
    %ne3A_89 = arith.constant 0 : i32
    %ne3A_90 = vector.broadcast %ne3A_89 : i32 to vector<128x8xi32>
    %ne3A_91 = arith.cmpi ne, %rem3A_88, %ne3A_90 : vector<128x8xi32>
    %and3A_92 = arith.andi %ne3A_86, %ne3A_91 : vector<128x8xi1>
    %sub3A_93 = arith.constant 1 : i32
    %sub3A_94 = vector.broadcast %sub3A_93 : i32 to vector<128x8xi32>
    %sub3A_95 = arith.subi %div3A_68, %sub3A_94 : vector<128x8xi32>
    %select_n3A_96 = arith.select %and3A_92, %sub3A_95, %div3A_68 : vector<128x8xi1>, vector<128x8xi32>
    %eq3A_97 = arith.cmpi eq, %select_n3A_96, %iota3A_37 : vector<128x8xi32>
    %jit3A_98 = arith.constant 0.000000e+00 : f32
    %broadcast_in_dim3A_99 = vector.shape_cast %concatenate3A_38 : vector<128x1xf32> to vector<128x1xf32>
    %broadcast_in_dim3A_100 = vector.broadcast %broadcast_in_dim3A_99 : vector<128x1xf32> to vector<128x8xf32>
    %broadcast_in_dim3A_101 = vector.broadcast %jit3A_98 : f32 to vector<128x8xf32>
    %select_n3A_102 = arith.select %eq3A_97, %broadcast_in_dim3A_100, %broadcast_in_dim3A_101 : vector<128x8xi1>, vector<128x8xf32>
    %dot_general3A_103 = arith.constant dense<0.000000e+00> : vector<1250x8xf32>
    %dot_general3A_104 = tpu.matmul %mul3A, %select_n3A_65, %dot_general3A_103 {dimension_numbers = #tpu.dot_dimension_numbers<[1], [0], [0], [1], [0, 0, 1, 1], [], []>, transpose_lhs_hint = false} : vector<1250x128xf32>, vector<128x8xf32>, vector<1250x8xf32> -> vector<1250x8xf32>
    %dot_general3A_105 = arith.constant dense<0.000000e+00> : vector<1250x8xf32>
    %dot_general3A_106 = tpu.matmul %get3A_1, %select_n3A_102, %dot_general3A_105 {dimension_numbers = #tpu.dot_dimension_numbers<[1], [0], [0], [1], [0, 0, 1, 1], [], []>, transpose_lhs_hint = false} : vector<1250x128xf32>, vector<128x8xf32>, vector<1250x8xf32> -> vector<1250x8xf32>
    %add3A_107 = arith.addf %dot_general3A_104, %dot_general3A_106 : vector<1250x8xf32>
    %add3A_108 = vector.broadcast %add3A_36 : vector<1x1xf32> to vector<1250x8xf32>
    %add3A_109 = arith.addf %add3A_107, %add3A_108 : vector<1250x8xf32>
    %swap3A = arith.constant 0 : index
    %swap3A_110 = arith.constant 0 : index
    %swap3A_111 = vector.load %arg8[%swap3A, %swap3A_110] : memref<1250x8xf32, #tpu.memory_space<vmem>>, vector<1250x8xf32>
    tpu.vector_store %arg8[%swap3A, %swap3A_110], %add3A_109 {strides = array<i32>} : memref<1250x8xf32, #tpu.memory_space<vmem>>, vector<1250x8xf32>,
    return
  }
}

module attributes {stable_mosaic.version = 14 : i64} {
  func.func @_dense1_body(%arg0: memref<1250x8x128xf32, #tpu.memory_space<vmem>>, %arg1: memref<16x128xf32, #tpu.memory_space<vmem>>, %arg2: memref<16x128xf32, #tpu.memory_space<vmem>>, %arg3: memref<1250x128xf32, #tpu.memory_space<vmem>>, %arg4: memref<1250x128xf32, #tpu.memory_space<vmem>>) attributes {dimension_semantics = [], scalar_prefetch = 0 : i64, scratch_operands = 0 : i64, tpu.core_type = #tpu.core_type<tc>} {
    %get3A = arith.constant 0 : index
    %get3A_0 = arith.constant 0 : index
    %get3A_1 = arith.constant 0 : index
    %get3A_2 = vector.load %arg0[%get3A, %get3A_0, %get3A_1] : memref<1250x8x128xf32, #tpu.memory_space<vmem>>, vector<1250x8x128xf32>
    %reshape3A = vector.shape_cast %get3A_2 : vector<1250x8x128xf32> to vector<1250x1024xf32>
    %iota3A = tpu.iota {dimensions = array<i32: 0>} : vector<1024x128xi32>
    %iota3A_3 = tpu.iota {dimensions = array<i32: 1>} : vector<1024x128xi32>
    %jit3A = arith.constant 128 : i32
    %div3A = vector.broadcast %jit3A : i32 to vector<1024x128xi32>
    %div3A_4 = arith.divsi %iota3A, %div3A : vector<1024x128xi32>
    %sign3A = arith.constant 0 : i32
    %sign3A_5 = vector.broadcast %sign3A : i32 to vector<1024x128xi32>
    %sign3A_6 = arith.cmpi sgt, %iota3A, %sign3A_5 : vector<1024x128xi32>
    %sign3A_7 = arith.extui %sign3A_6 : vector<1024x128xi1> to vector<1024x128xi32>
    %sign3A_8 = arith.constant 0 : i32
    %sign3A_9 = vector.broadcast %sign3A_8 : i32 to vector<1024x128xi32>
    %sign3A_10 = arith.cmpi slt, %iota3A, %sign3A_9 : vector<1024x128xi32>
    %sign3A_11 = arith.extui %sign3A_10 : vector<1024x128xi1> to vector<1024x128xi32>
    %sign3A_12 = arith.subi %sign3A_7, %sign3A_11 : vector<1024x128xi32>
    %sign3A_13 = arith.constant 0 : i32
    %sign3A_14 = arith.cmpi sgt, %jit3A, %sign3A_13 : i32
    %sign3A_15 = arith.extui %sign3A_14 : i1 to i32
    %sign3A_16 = arith.constant 0 : i32
    %sign3A_17 = arith.cmpi slt, %jit3A, %sign3A_16 : i32
    %sign3A_18 = arith.extui %sign3A_17 : i1 to i32
    %sign3A_19 = arith.subi %sign3A_15, %sign3A_18 : i32
    %ne3A = vector.broadcast %sign3A_19 : i32 to vector<1024x128xi32>
    %ne3A_20 = arith.cmpi ne, %sign3A_12, %ne3A : vector<1024x128xi32>
    %rem3A = vector.broadcast %jit3A : i32 to vector<1024x128xi32>
    %rem3A_21 = arith.remsi %iota3A, %rem3A : vector<1024x128xi32>
    %ne3A_22 = arith.constant 0 : i32
    %ne3A_23 = vector.broadcast %ne3A_22 : i32 to vector<1024x128xi32>
    %ne3A_24 = arith.cmpi ne, %rem3A_21, %ne3A_23 : vector<1024x128xi32>
    %and3A = arith.andi %ne3A_20, %ne3A_24 : vector<1024x128xi1>
    %sub3A = arith.constant 1 : i32
    %sub3A_25 = vector.broadcast %sub3A : i32 to vector<1024x128xi32>
    %sub3A_26 = arith.subi %div3A_4, %sub3A_25 : vector<1024x128xi32>
    %select_n3A = arith.select %and3A, %sub3A_26, %div3A_4 : vector<1024x128xi1>, vector<1024x128xi32>
    %jit3A_27 = arith.constant 16 : i32
    %div3A_28 = vector.broadcast %jit3A_27 : i32 to vector<1024x128xi32>
    %div3A_29 = arith.divsi %iota3A_3, %div3A_28 : vector<1024x128xi32>
    %sign3A_30 = arith.constant 0 : i32
    %sign3A_31 = vector.broadcast %sign3A_30 : i32 to vector<1024x128xi32>
    %sign3A_32 = arith.cmpi sgt, %iota3A_3, %sign3A_31 : vector<1024x128xi32>
    %sign3A_33 = arith.extui %sign3A_32 : vector<1024x128xi1> to vector<1024x128xi32>
    %sign3A_34 = arith.constant 0 : i32
    %sign3A_35 = vector.broadcast %sign3A_34 : i32 to vector<1024x128xi32>
    %sign3A_36 = arith.cmpi slt, %iota3A_3, %sign3A_35 : vector<1024x128xi32>
    %sign3A_37 = arith.extui %sign3A_36 : vector<1024x128xi1> to vector<1024x128xi32>
    %sign3A_38 = arith.subi %sign3A_33, %sign3A_37 : vector<1024x128xi32>
    %sign3A_39 = arith.constant 0 : i32
    %sign3A_40 = arith.cmpi sgt, %jit3A_27, %sign3A_39 : i32
    %sign3A_41 = arith.extui %sign3A_40 : i1 to i32
    %sign3A_42 = arith.constant 0 : i32
    %sign3A_43 = arith.cmpi slt, %jit3A_27, %sign3A_42 : i32
    %sign3A_44 = arith.extui %sign3A_43 : i1 to i32
    %sign3A_45 = arith.subi %sign3A_41, %sign3A_44 : i32
    %ne3A_46 = vector.broadcast %sign3A_45 : i32 to vector<1024x128xi32>
    %ne3A_47 = arith.cmpi ne, %sign3A_38, %ne3A_46 : vector<1024x128xi32>
    %rem3A_48 = vector.broadcast %jit3A_27 : i32 to vector<1024x128xi32>
    %rem3A_49 = arith.remsi %iota3A_3, %rem3A_48 : vector<1024x128xi32>
    %ne3A_50 = arith.constant 0 : i32
    %ne3A_51 = vector.broadcast %ne3A_50 : i32 to vector<1024x128xi32>
    %ne3A_52 = arith.cmpi ne, %rem3A_49, %ne3A_51 : vector<1024x128xi32>
    %and3A_53 = arith.andi %ne3A_47, %ne3A_52 : vector<1024x128xi1>
    %sub3A_54 = arith.constant 1 : i32
    %sub3A_55 = vector.broadcast %sub3A_54 : i32 to vector<1024x128xi32>
    %sub3A_56 = arith.subi %div3A_29, %sub3A_55 : vector<1024x128xi32>
    %select_n3A_57 = arith.select %and3A_53, %sub3A_56, %div3A_29 : vector<1024x128xi1>, vector<1024x128xi32>
    %eq3A = arith.cmpi eq, %select_n3A, %select_n3A_57 : vector<1024x128xi32>
    %get3A_58 = arith.constant 0 : index
    %get3A_59 = arith.constant 0 : index
    %get3A_60 = vector.load %arg1[%get3A_58, %get3A_59] : memref<16x128xf32, #tpu.memory_space<vmem>>, vector<16x128xf32>
    %transpose3A = tpu.transpose %get3A_60, [1, 0] : vector<16x128xf32> -> vector<128x16xf32>
    %concatenate3A = tpu.concatenate %transpose3A, %transpose3A, %transpose3A, %transpose3A, %transpose3A, %transpose3A, %transpose3A, %transpose3A in 0 : vector<128x16xf32>, vector<128x16xf32>, vector<128x16xf32>, vector<128x16xf32>, vector<128x16xf32>, vector<128x16xf32>, vector<128x16xf32>, vector<128x16xf32> -> vector<1024x16xf32>
    %concatenate3A_61 = tpu.concatenate %concatenate3A, %concatenate3A, %concatenate3A, %concatenate3A, %concatenate3A, %concatenate3A, %concatenate3A, %concatenate3A in 1 : vector<1024x16xf32>, vector<1024x16xf32>, vector<1024x16xf32>, vector<1024x16xf32>, vector<1024x16xf32>, vector<1024x16xf32>, vector<1024x16xf32>, vector<1024x16xf32> -> vector<1024x128xf32>
    %jit3A_62 = arith.constant 0.000000e+00 : f32
    %broadcast_in_dim3A = vector.broadcast %jit3A_62 : f32 to vector<1024x128xf32>
    %select_n3A_63 = arith.select %eq3A, %concatenate3A_61, %broadcast_in_dim3A : vector<1024x128xi1>, vector<1024x128xf32>
    %dot_general3A = arith.constant dense<0.000000e+00> : vector<1250x128xf32>
    %dot_general3A_64 = tpu.matmul %reshape3A, %select_n3A_63, %dot_general3A {dimension_numbers = #tpu.dot_dimension_numbers<[1], [0], [0], [1], [0, 0, 1, 1], [], []>, transpose_lhs_hint = false} : vector<1250x1024xf32>, vector<1024x128xf32>, vector<1250x128xf32> -> vector<1250x128xf32>
    %swap3A = arith.constant 0 : index
    %swap3A_65 = arith.constant 0 : index
    %swap3A_66 = vector.load %arg3[%swap3A, %swap3A_65] : memref<1250x128xf32, #tpu.memory_space<vmem>>, vector<1250x128xf32>
    tpu.vector_store %arg3[%swap3A, %swap3A_65], %dot_general3A_64 {strides = array<i32>} : memref<1250x128xf32, #tpu.memory_space<vmem>>, vector<1250x128xf32>,
    %get3A_67 = arith.constant 0 : index
    %get3A_68 = arith.constant 0 : index
    %get3A_69 = vector.load %arg2[%get3A_67, %get3A_68] : memref<16x128xf32, #tpu.memory_space<vmem>>, vector<16x128xf32>
    %transpose3A_70 = tpu.transpose %get3A_69, [1, 0] : vector<16x128xf32> -> vector<128x16xf32>
    %concatenate3A_71 = tpu.concatenate %transpose3A_70, %transpose3A_70, %transpose3A_70, %transpose3A_70, %transpose3A_70, %transpose3A_70, %transpose3A_70, %transpose3A_70 in 0 : vector<128x16xf32>, vector<128x16xf32>, vector<128x16xf32>, vector<128x16xf32>, vector<128x16xf32>, vector<128x16xf32>, vector<128x16xf32>, vector<128x16xf32> -> vector<1024x16xf32>
    %concatenate3A_72 = tpu.concatenate %concatenate3A_71, %concatenate3A_71, %concatenate3A_71, %concatenate3A_71, %concatenate3A_71, %concatenate3A_71, %concatenate3A_71, %concatenate3A_71 in 1 : vector<1024x16xf32>, vector<1024x16xf32>, vector<1024x16xf32>, vector<1024x16xf32>, vector<1024x16xf32>, vector<1024x16xf32>, vector<1024x16xf32>, vector<1024x16xf32> -> vector<1024x128xf32>
    %jit3A_73 = arith.constant 0.000000e+00 : f32
    %broadcast_in_dim3A_74 = vector.broadcast %jit3A_73 : f32 to vector<1024x128xf32>
    %select_n3A_75 = arith.select %eq3A, %concatenate3A_72, %broadcast_in_dim3A_74 : vector<1024x128xi1>, vector<1024x128xf32>
    %dot_general3A_76 = arith.constant dense<0.000000e+00> : vector<1250x128xf32>
    %dot_general3A_77 = tpu.matmul %reshape3A, %select_n3A_75, %dot_general3A_76 {dimension_numbers = #tpu.dot_dimension_numbers<[1], [0], [0], [1], [0, 0, 1, 1], [], []>, transpose_lhs_hint = false} : vector<1250x1024xf32>, vector<1024x128xf32>, vector<1250x128xf32> -> vector<1250x128xf32>
    %swap3A_78 = arith.constant 0 : index
    %swap3A_79 = arith.constant 0 : index
    %swap3A_80 = vector.load %arg4[%swap3A_78, %swap3A_79] : memref<1250x128xf32, #tpu.memory_space<vmem>>, vector<1250x128xf32>
    tpu.vector_store %arg4[%swap3A_78, %swap3A_79], %dot_general3A_77 {strides = array<i32>} : memref<1250x128xf32, #tpu.memory_space<vmem>>, vector<1250x128xf32>,
    return
  }
}

module attributes {stable_mosaic.version = 14 : i64} {
  func.func @_mid_body(%arg0: memref<2x1264x128xf32, #tpu.memory_space<vmem>>, %arg1: memref<2x1264x128xf32, #tpu.memory_space<vmem>>, %arg2: memref<1250x128xf32, #tpu.memory_space<vmem>>, %arg3: memref<1x16xf32, #tpu.memory_space<vmem>>, %arg4: memref<1250x128xf32, #tpu.memory_space<vmem>>, %arg5: memref<1250x128xf32, #tpu.memory_space<vmem>>) attributes {dimension_semantics = [], scalar_prefetch = 0 : i64, scratch_operands = 0 : i64, tpu.core_type = #tpu.core_type<tc>} {
    %get3A = arith.constant 0 : index
    %get3A_0 = arith.constant 0 : index
    %get3A_1 = arith.constant 0 : index
    %get3A_2 = vector.load %arg0[%get3A, %get3A_0, %get3A_1] : memref<2x1264x128xf32, #tpu.memory_space<vmem>>, vector<1x1250x128xf32>
    %get3A_3 = vector.shape_cast %get3A_2 : vector<1x1250x128xf32> to vector<1250x128xf32>
    %get3A_4 = arith.constant 1 : index
    %get3A_5 = arith.constant 0 : index
    %get3A_6 = arith.constant 0 : index
    %get3A_7 = vector.load %arg0[%get3A_4, %get3A_5, %get3A_6] : memref<2x1264x128xf32, #tpu.memory_space<vmem>>, vector<1x1250x128xf32>
    %get3A_8 = vector.shape_cast %get3A_7 : vector<1x1250x128xf32> to vector<1250x128xf32>
    %add3A = arith.addf %get3A_3, %get3A_8 : vector<1250x128xf32>
    %get3A_9 = arith.constant 0 : index
    %get3A_10 = arith.constant 0 : index
    %get3A_11 = arith.constant 0 : index
    %get3A_12 = vector.load %arg1[%get3A_9, %get3A_10, %get3A_11] : memref<2x1264x128xf32, #tpu.memory_space<vmem>>, vector<1x1250x128xf32>
    %get3A_13 = vector.shape_cast %get3A_12 : vector<1x1250x128xf32> to vector<1250x128xf32>
    %get3A_14 = arith.constant 1 : index
    %get3A_15 = arith.constant 0 : index
    %get3A_16 = arith.constant 0 : index
    %get3A_17 = vector.load %arg1[%get3A_14, %get3A_15, %get3A_16] : memref<2x1264x128xf32, #tpu.memory_space<vmem>>, vector<1x1250x128xf32>
    %get3A_18 = vector.shape_cast %get3A_17 : vector<1x1250x128xf32> to vector<1250x128xf32>
    %add3A_19 = arith.addf %get3A_13, %get3A_18 : vector<1250x128xf32>
    %iota3A = tpu.iota {dimensions = array<i32: 0>} : vector<128x128xi32>
    %iota3A_20 = tpu.iota {dimensions = array<i32: 1>} : vector<128x128xi32>
    %jit3A = arith.constant 16 : i32
    %eq3A = arith.constant 0 : i32
    %eq3A_21 = arith.cmpi eq, %jit3A, %eq3A : i32
    %jit3A_22 = arith.constant 1 : i32
    %select_n3A = arith.select %eq3A_21, %jit3A_22, %jit3A : i32
    %rem3A = vector.broadcast %select_n3A : i32 to vector<128x128xi32>
    %rem3A_23 = arith.remsi %iota3A, %rem3A : vector<128x128xi32>
    %ne3A = arith.constant 0 : i32
    %ne3A_24 = vector.broadcast %ne3A : i32 to vector<128x128xi32>
    %ne3A_25 = arith.cmpi ne, %rem3A_23, %ne3A_24 : vector<128x128xi32>
    %lt3A = arith.constant 0 : i32
    %lt3A_26 = vector.broadcast %lt3A : i32 to vector<128x128xi32>
    %lt3A_27 = arith.cmpi slt, %rem3A_23, %lt3A_26 : vector<128x128xi32>
    %lt3A_28 = arith.constant 0 : i32
    %lt3A_29 = arith.cmpi slt, %select_n3A, %lt3A_28 : i32
    %ne3A_30 = vector.broadcast %lt3A_29 : i1 to vector<128x128xi1>
    %ne3A_31 = vector.broadcast %ne3A_30 : vector<128x128xi1> to vector<128x128xi1>
    %ne3A_32 = arith.xori %lt3A_27, %ne3A_31 : vector<128x128xi1>
    %and3A = arith.andi %ne3A_32, %ne3A_25 : vector<128x128xi1>
    %add3A_33 = vector.broadcast %select_n3A : i32 to vector<128x128xi32>
    %add3A_34 = arith.addi %rem3A_23, %add3A_33 : vector<128x128xi32>
    %select_n3A_35 = arith.select %and3A, %add3A_34, %rem3A_23 : vector<128x128xi1>, vector<128x128xi32>
    %eq3A_36 = arith.constant 0 : i32
    %eq3A_37 = vector.broadcast %eq3A_36 : i32 to vector<128x128xi32>
    %eq3A_38 = arith.cmpi eq, %select_n3A_35, %eq3A_37 : vector<128x128xi32>
    %jit3A_39 = arith.constant 16 : i32
    %div3A = vector.broadcast %jit3A_39 : i32 to vector<128x128xi32>
    %div3A_40 = arith.divsi %iota3A, %div3A : vector<128x128xi32>
    %sign3A = arith.constant 0 : i32
    %sign3A_41 = vector.broadcast %sign3A : i32 to vector<128x128xi32>
    %sign3A_42 = arith.cmpi sgt, %iota3A, %sign3A_41 : vector<128x128xi32>
    %sign3A_43 = arith.extui %sign3A_42 : vector<128x128xi1> to vector<128x128xi32>
    %sign3A_44 = arith.constant 0 : i32
    %sign3A_45 = vector.broadcast %sign3A_44 : i32 to vector<128x128xi32>
    %sign3A_46 = arith.cmpi slt, %iota3A, %sign3A_45 : vector<128x128xi32>
    %sign3A_47 = arith.extui %sign3A_46 : vector<128x128xi1> to vector<128x128xi32>
    %sign3A_48 = arith.subi %sign3A_43, %sign3A_47 : vector<128x128xi32>
    %sign3A_49 = arith.constant 0 : i32
    %sign3A_50 = arith.cmpi sgt, %jit3A_39, %sign3A_49 : i32
    %sign3A_51 = arith.extui %sign3A_50 : i1 to i32
    %sign3A_52 = arith.constant 0 : i32
    %sign3A_53 = arith.cmpi slt, %jit3A_39, %sign3A_52 : i32
    %sign3A_54 = arith.extui %sign3A_53 : i1 to i32
    %sign3A_55 = arith.subi %sign3A_51, %sign3A_54 : i32
    %ne3A_56 = vector.broadcast %sign3A_55 : i32 to vector<128x128xi32>
    %ne3A_57 = arith.cmpi ne, %sign3A_48, %ne3A_56 : vector<128x128xi32>
    %rem3A_58 = vector.broadcast %jit3A_39 : i32 to vector<128x128xi32>
    %rem3A_59 = arith.remsi %iota3A, %rem3A_58 : vector<128x128xi32>
    %ne3A_60 = arith.constant 0 : i32
    %ne3A_61 = vector.broadcast %ne3A_60 : i32 to vector<128x128xi32>
    %ne3A_62 = arith.cmpi ne, %rem3A_59, %ne3A_61 : vector<128x128xi32>
    %and3A_63 = arith.andi %ne3A_57, %ne3A_62 : vector<128x128xi1>
    %sub3A = arith.constant 1 : i32
    %sub3A_64 = vector.broadcast %sub3A : i32 to vector<128x128xi32>
    %sub3A_65 = arith.subi %div3A_40, %sub3A_64 : vector<128x128xi32>
    %select_n3A_66 = arith.select %and3A_63, %sub3A_65, %div3A_40 : vector<128x128xi1>, vector<128x128xi32>
    %jit3A_67 = arith.constant 16 : i32
    %div3A_68 = vector.broadcast %jit3A_67 : i32 to vector<128x128xi32>
    %div3A_69 = arith.divsi %iota3A_20, %div3A_68 : vector<128x128xi32>
    %sign3A_70 = arith.constant 0 : i32
    %sign3A_71 = vector.broadcast %sign3A_70 : i32 to vector<128x128xi32>
    %sign3A_72 = arith.cmpi sgt, %iota3A_20, %sign3A_71 : vector<128x128xi32>
    %sign3A_73 = arith.extui %sign3A_72 : vector<128x128xi1> to vector<128x128xi32>
    %sign3A_74 = arith.constant 0 : i32
    %sign3A_75 = vector.broadcast %sign3A_74 : i32 to vector<128x128xi32>
    %sign3A_76 = arith.cmpi slt, %iota3A_20, %sign3A_75 : vector<128x128xi32>
    %sign3A_77 = arith.extui %sign3A_76 : vector<128x128xi1> to vector<128x128xi32>
    %sign3A_78 = arith.subi %sign3A_73, %sign3A_77 : vector<128x128xi32>
    %sign3A_79 = arith.constant 0 : i32
    %sign3A_80 = arith.cmpi sgt, %jit3A_67, %sign3A_79 : i32
    %sign3A_81 = arith.extui %sign3A_80 : i1 to i32
    %sign3A_82 = arith.constant 0 : i32
    %sign3A_83 = arith.cmpi slt, %jit3A_67, %sign3A_82 : i32
    %sign3A_84 = arith.extui %sign3A_83 : i1 to i32
    %sign3A_85 = arith.subi %sign3A_81, %sign3A_84 : i32
    %ne3A_86 = vector.broadcast %sign3A_85 : i32 to vector<128x128xi32>
    %ne3A_87 = arith.cmpi ne, %sign3A_78, %ne3A_86 : vector<128x128xi32>
    %rem3A_88 = vector.broadcast %jit3A_67 : i32 to vector<128x128xi32>
    %rem3A_89 = arith.remsi %iota3A_20, %rem3A_88 : vector<128x128xi32>
    %ne3A_90 = arith.constant 0 : i32
    %ne3A_91 = vector.broadcast %ne3A_90 : i32 to vector<128x128xi32>
    %ne3A_92 = arith.cmpi ne, %rem3A_89, %ne3A_91 : vector<128x128xi32>
    %and3A_93 = arith.andi %ne3A_87, %ne3A_92 : vector<128x128xi1>
    %sub3A_94 = arith.constant 1 : i32
    %sub3A_95 = vector.broadcast %sub3A_94 : i32 to vector<128x128xi32>
    %sub3A_96 = arith.subi %div3A_69, %sub3A_95 : vector<128x128xi32>
    %select_n3A_97 = arith.select %and3A_93, %sub3A_96, %div3A_69 : vector<128x128xi1>, vector<128x128xi32>
    %eq3A_98 = arith.cmpi eq, %select_n3A_66, %select_n3A_97 : vector<128x128xi32>
    %and3A_99 = arith.andi %eq3A_38, %eq3A_98 : vector<128x128xi1>
    %jit3A_100 = arith.constant 1.000000e+00 : f32
    %jit3A_101 = arith.constant 0.000000e+00 : f32
    %broadcast_in_dim3A = vector.broadcast %jit3A_100 : f32 to vector<128x128xf32>
    %broadcast_in_dim3A_102 = vector.broadcast %jit3A_101 : f32 to vector<128x128xf32>
    %select_n3A_103 = arith.select %and3A_99, %broadcast_in_dim3A, %broadcast_in_dim3A_102 : vector<128x128xi1>, vector<128x128xf32>
    %dot_general3A = arith.constant dense<0.000000e+00> : vector<1250x128xf32>
    %dot_general3A_104 = tpu.matmul %add3A_19, %select_n3A_103, %dot_general3A {dimension_numbers = #tpu.dot_dimension_numbers<[1], [0], [0], [1], [0, 0, 1, 1], [], []>, transpose_lhs_hint = false} : vector<1250x128xf32>, vector<128x128xf32>, vector<1250x128xf32> -> vector<1250x128xf32>
    %max3A = arith.constant 1.000000e+00 : f32
    %max3A_105 = vector.broadcast %max3A : f32 to vector<1250x128xf32>
    %max3A_106 = arith.maximumf %dot_general3A_104, %max3A_105 : vector<1250x128xf32>
    %div3A_107 = arith.constant 1.000000e+00 : f32
    %div3A_108 = vector.broadcast %div3A_107 : f32 to vector<1250x128xf32>
    %div3A_109 = arith.divf %div3A_108, %max3A_106 : vector<1250x128xf32>
    %get3A_110 = arith.constant 0 : index
    %get3A_111 = arith.constant 0 : index
    %get3A_112 = vector.load %arg3[%get3A_110, %get3A_111] : memref<1x16xf32, #tpu.memory_space<vmem>>, vector<1x16xf32>
    %concatenate3A = tpu.concatenate %get3A_112, %get3A_112, %get3A_112, %get3A_112, %get3A_112, %get3A_112, %get3A_112, %get3A_112 in 1 : vector<1x16xf32>, vector<1x16xf32>, vector<1x16xf32>, vector<1x16xf32>, vector<1x16xf32>, vector<1x16xf32>, vector<1x16xf32>, vector<1x16xf32> -> vector<1x128xf32>
    %mul3A = arith.mulf %add3A, %div3A_109 : vector<1250x128xf32>
    %add3A_113 = vector.broadcast %concatenate3A : vector<1x128xf32> to vector<1250x128xf32>
    %add3A_114 = arith.addf %mul3A, %add3A_113 : vector<1250x128xf32>
    %get3A_115 = arith.constant 0 : index
    %get3A_116 = arith.constant 0 : index
    %get3A_117 = vector.load %arg2[%get3A_115, %get3A_116] : memref<1250x128xf32, #tpu.memory_space<vmem>>, vector<1250x128xf32>
    %add3A_118 = arith.addf %add3A_114, %get3A_117 : vector<1250x128xf32>
    %max3A_119 = arith.constant 0.000000e+00 : f32
    %max3A_120 = vector.broadcast %max3A_119 : f32 to vector<1250x128xf32>
    %max3A_121 = arith.maximumf %add3A_118, %max3A_120 : vector<1250x128xf32>
    %swap3A = arith.constant 0 : index
    %swap3A_122 = arith.constant 0 : index
    %swap3A_123 = vector.load %arg4[%swap3A, %swap3A_122] : memref<1250x128xf32, #tpu.memory_space<vmem>>, vector<1250x128xf32>
    tpu.vector_store %arg4[%swap3A, %swap3A_122], %max3A_121 {strides = array<i32>} : memref<1250x128xf32, #tpu.memory_space<vmem>>, vector<1250x128xf32>,
    %swap3A_124 = arith.constant 0 : index
    %swap3A_125 = arith.constant 0 : index
    %swap3A_126 = vector.load %arg5[%swap3A_124, %swap3A_125] : memref<1250x128xf32, #tpu.memory_space<vmem>>, vector<1250x128xf32>
    tpu.vector_store %arg5[%swap3A_124, %swap3A_125], %div3A_109 {strides = array<i32>} : memref<1250x128xf32, #tpu.memory_space<vmem>>, vector<1250x128xf32>,
    return
  }
}

</mosaic_0001>

<sc_bundles>
// kernel: kernel.10.cloned.1.call-start
scs
__scs_entry_jumppad:
0x0: {  	(pc) =	sbr.rel $0x88, $3  }
0x1: {  	(tag) =	ssettag $0x0;
	lr =	simm.s32 $0x1  }
0x2: {  	[smem:$0x3F97] =	sst lr;
	_ =	strace $0xD0000000  }
0x3: {  	_ = 	snop  }
0x4: {  	_ = 	snop  }
0x5: {  	_ = 	snop  }
0x6: {  	_ = 	snop  }
0x7: {  	_ = 	snop  }
__scs_overlays_trampoline_lowered:
0x8: {  	[smem:$0x3FA6] =	sst s0  }
0x9: {  	[smem:$0x3FA7] =	sst s1  }
0xa: {  	[smem:$0x3FA8] =	sst s2  }
0xb: {  	[smem:$0x3FA9] =	sst s3  }
0xc: {  	[smem:$0x3FAA] =	sst s4  }
0xd: {  	[smem:$0x3FAB] =	sst s5  }
0xe: {  	[smem:$0x3FAC] =	sst s6  }
0xf: {  	[smem:$0x3FAD] =	sst s7  }
0x10: {  	[smem:$0x3FAE] =	sst s8  }
0x11: {  	[smem:$0x3FAF] =	sst s9;
	s0 =	simm.s32 @!p0 $0x0  }
0x12: {  	s1 =	sld [smem:$0x3F95];
	s0 =	simm.s32 @p0 $0x1  }
0x13: {  	[smem:$0x3FB0] =	sst s0;
	s0 =	simm.s32 @!p1 $0x0  }
0x14: {  	s2 =	sld [smem:$0x3F94];
	s0 =	simm.s32 @p1 $0x1  }
0x15: {  	[smem:$0x3FB1] =	sst s0;
	s0 =	simm.s32 @!p2 $0x0  }
0x16: {  	s3 =	sld [smem:$0x3FDB];
	s0 =	simm.s32 @p2 $0x1  }
0x17: {  	s4 =	simm.s32 $0x1BF5;
	[smem:$0x3FB3] =	sst s0  }
0x18: {  	s0 =	sld [smem:$0x3F96];
	_ =	swait.ge [sflag:s4], $0x0  }
0x19: {  	s7 =	sld [smem:$0x3F97]  }
0x1a: {  	s8 =	sadd.s32 $0xFFFFE003, lr  }
0x1b: {  	s9 =	sadd.s32 $0xFFFFFEF7, lr;
	s5 =	simm.s32 $0xFFFFFFFF;
	p2 =	slt.u32 s8, $0xFFFFF086  }
0x1c: {  	p1 =	slt.u32 s9, $0xF7A;
	s5 =	simm.s32 @!p2 $0x0  }
0x1d: {  	s5 =	simm.s32 @p1 $0x1;
	p0 =	seq.s32 s7, s2  }
0x1e: {  	s7 =	smul.u32 @!p0 $0xF7A, s2;
	p2 =	seq.s32 @!p0 s5, $0x0  }
0x1f: {  	s9 =	smul.u32 $0xF7A, s1;
	s8 =	simm.s32 @!p0 $0x1BF5;
	p2 =	por !p2, p0  }
0x20: {  	[sflag:s8] =	ssyncset.s32 @!p0 $0xFFFFF086;
	s6 =	sadd.s32 @!p0 s3, s7;
	s7 =	simm.s32 @!p0 $0x108  }
0x21: {  	s3 =	sadd.s32 s3, s9;
	s6 =	sadd.s32 @!p0 $0x88, s6;
	s7 =	simm.s32 @p2 $0x1082  }
0x22: {  	[simem:s7], [sflag:s8] =	dma.local @!p0 [hbm:s6], $0xF7A  }
0x23: {  	s9 =	sor.u32 $0xD0000000, s2;
	s6 =	simm.s32 $0x108;
	_ =	swait.ge @!p0 [sflag:s8], $0x0  }
0x24: {  	s3 =	sadd.s32 $0x88, s3;
	s6 =	simm.s32 @!p1 $0x1082;
	[sflag:s4] =	ssyncset.s32 $0xFFFFF086  }
0x25: {  	[simem:s6], [sflag:s4] =	dma.local [hbm:s3], $0xF7A  }
0x26: {  	[smem:$0x3F97] =	sst s1;
	(tag) =	ssettag s2;
	_ =	strace s9  }
0x27: {  	s1 =	sld [smem:$0x3FA7]  }
0x28: {  	s2 =	sld [smem:$0x3FA8]  }
0x29: {  	s4 =	sld [smem:$0x3FAA]  }
0x2a: {  	p0 =	seq.s32 s5, $0x0;
	s5 =	sld [smem:$0x3FAB]  }
0x2b: {  	s6 =	sld [smem:$0x3FAC]  }
0x2c: {  	s7 =	sld [smem:$0x3FAD]  }
0x2d: {  	s3 =	simm.s32 $0x108;
	s8 =	sld [smem:$0x3FAE]  }
0x2e: {  	s3 =	simm.s32 @!p0 $0x1082;
	s9 =	sld [smem:$0x3FAF]  }
0x2f: {  	lr =	sadd.s32 s0, s3;
	s0 =	sld [smem:$0x3FA6]  }
0x30: {  	s3 =	sld [smem:$0x3FA9]  }
0x31: {  	[smem:$0x3FB2] =	sst s10  }
0x32: {  	s10 =	sld [smem:$0x3FB0];
	_ =	sdelay $0x3  }
0x33: {  	p0 =	seq.s32 s10, $0x1;
	s10 =	sld [smem:$0x3FB2];
	_ =	sdelay $0x3  }
0x34: {  	[smem:$0x3FB2] =	sst s10  }
0x35: {  	s10 =	sld [smem:$0x3FB1];
	_ =	sdelay $0x3  }
0x36: {  	p1 =	seq.s32 s10, $0x1;
	s10 =	sld [smem:$0x3FB2];
	_ =	sdelay $0x3  }
0x37: {  	[smem:$0x3FB2] =	sst s10  }
0x38: {  	s10 =	sld [smem:$0x3FB3]  }
0x39: {  	_ = 	snop;
	(pc) =	sbr.ind lr, $3  }
0x3a: {  	_ = 	snop  }
0x3b: {  	_ = 	snop  }
0x3c: {  	p2 =	seq.s32 s10, $0x1;
	s10 =	sld [smem:$0x3FB2]  }
0x3d: {  	_ =	shalt  }
0x3e: {  	_ =	shalt  }
0x3f: {  	_ =	shalt  }
0x40: {  	_ =	shalt  }
0x41: {  	_ =	shalt  }
0x42: {  	_ =	shalt  }
0x43: {  	_ =	shalt  }
0x44: {  	_ =	shalt  }
0x45: {  	_ =	shalt  }
0x46: {  	_ =	shalt  }
0x47: {  	_ =	shalt  }
0x48: {  	_ =	shalt  }
0x49: {  	_ =	shalt  }
0x4a: {  	_ =	shalt  }
0x4b: {  	_ =	shalt  }
0x4c: {  	_ =	shalt  }
0x4d: {  	_ =	shalt  }
0x4e: {  	_ =	shalt  }
0x4f: {  	_ =	shalt  }
0x50: {  	_ =	shalt  }
0x51: {  	_ =	shalt  }
0x52: {  	_ =	shalt  }
0x53: {  	_ =	shalt  }
0x54: {  	_ =	shalt  }
0x55: {  	_ =	shalt  }
0x56: {  	_ =	shalt  }
0x57: {  	_ =	shalt  }
0x58: {  	_ =	shalt  }
0x59: {  	_ =	shalt  }
0x5a: {  	_ =	shalt  }
0x5b: {  	_ =	shalt  }
0x5c: {  	_ =	shalt  }
0x5d: {  	_ =	shalt  }
0x5e: {  	_ =	shalt  }
0x5f: {  	_ =	shalt  }
0x60: {  	_ =	shalt  }
0x61: {  	_ =	shalt  }
0x62: {  	_ =	shalt  }
0x63: {  	_ =	shalt  }
0x64: {  	_ =	shalt  }
0x65: {  	_ =	shalt  }
0x66: {  	_ =	shalt  }
0x67: {  	_ =	shalt  }
0x68: {  	_ =	shalt  }
0x69: {  	_ =	shalt  }
0x6a: {  	_ =	shalt  }
0x6b: {  	_ =	shalt  }
0x6c: {  	_ =	shalt  }
0x6d: {  	_ =	shalt  }
0x6e: {  	_ =	shalt  }
0x6f: {  	_ =	shalt  }
0x70: {  	_ =	shalt  }
0x71: {  	_ =	shalt  }
0x72: {  	_ =	shalt  }
0x73: {  	_ =	shalt  }
0x74: {  	_ =	shalt  }
0x75: {  	_ =	shalt  }
0x76: {  	_ =	shalt  }
0x77: {  	_ =	shalt  }
0x78: {  	_ =	shalt  }
0x79: {  	_ =	shalt  }
0x7a: {  	_ =	shalt  }
0x7b: {  	_ =	shalt  }
0x7c: {  	_ =	shalt  }
0x7d: {  	_ =	shalt  }
0x7e: {  	_ =	shalt  }
0x7f: {  	_ =	shalt  }
0x80: {  	_ =	shalt  }
0x81: {  	_ =	shalt  }
0x82: {  	_ =	shalt  }
0x83: {  	_ =	shalt  }
0x84: {  	_ =	shalt  }
0x85: {  	_ =	shalt  }
0x86: {  	_ =	shalt  }
0x87: {  	_ =	shalt  }
.Lfunc_end0:
.L_simem_size_0:
called_computation.1_lowered:
.L_overlay_start_0:
0x88: {  	s2 =	sld [smem:$0x3FD9]  }
0x89: {  	s3 =	sld [smem:$0x3FFE];
	_ =	sdelay $0x1  }
0x8a: {  	s1 =	srdreg.scid  }
0x8b: {  	s0 =	sand.u32 $0x1, s1  }
0x8c: {  	s17 =	sshll.u32 s0, $0xA;
	s2 =	sadd.s32 s3, s2  }
0x8d: {  	s2 =	sadd.s32 s2, s17  }
0x8e: {  	[smem:$0x3FBE] =	sst s2  }
0x8f: {  	_ = 	snop  }
0x90: {  	s2 =	sld [smem:$0x3FC8];
	(tm) =	ssettm $0x1  }
0x91: {  	s18 =	sld [smem:$0x3FFB];
	_ =	sdelay $0x3  }
0x92: {  	_ =	strace s18  }
0x93: {  	s3 =	sld [smem:$0x3FFC];
	_ =	sdelay $0x3  }
0x94: {  	_ =	strace s3  }
0x95: {  	s3 =	sld [smem:$0x3FFD];
	_ =	sdelay $0x3  }
0x96: {  	_ =	strace s3  }
0x97: {  	_ =	strace $0x8FFFFFFF  }
0x98: {  	s19 =	sld [smem:$0x3FDB];
	_ =	sdelay $0x1  }
0x99: {  	s4 =	simm.s32 $_scs_section_size  }
0x9a: {  	s5 =	simm.s32 $_size__tile_overlayer_lowered;
	s6 =	simm.s32 $_tile_overlayer_lowered  }
0x9b: {  	s22 =	simm.s32 $0x1BFF;
	s21 =	sshll.u32 s6, $0x1;
	s3 =	sadd.s32 s4, s19  }
0x9c: {  	s7 =	simm.s32 $0x0;
	s20 =	sshll.u32 s5, $0x1;
	s5 =	sadd.s32 s21, s3  }
0x9d: {  	[timem:s7], [sflag:s22] =	dma.local [hbm:s5], s20  }
0x9e: {  	_ =	swait.ge [sflag:s22], s20  }
0x9f: {  	s4 =	ssub.s32 $0x0, s20;
	[sflag:s22] =	ssyncset.done $0x0  }
0xa0: {  	[sflag:s22] =	ssyncadd.s32 s4;
	_ =	sdelay $0x1  }
0xa1: {  	s23 =	simm.s32 $0x1B8B  }
0xa2: {  	_ =	swait.ge [sflag:s23], $0x1  }
0xa3: {  	[sflag:s23] =	ssyncset.done $0x0  }
0xa4: {  	s25 =	simm.s32 $0x1B8E;
	s24 =	sld [smem:$0x3FFE];
	[sflag:s23] =	ssyncadd.s32 $0xFFFFFFFF  }
0xa5: {  	s26 =	simm.s32 $execute0_lowered;
	[smem:$0x3FD2] =	sst s25  }
0xa6: {  	s5 =	sshll.u32 s26, $0x1;
	_ =	strace $0x80000049;
	[dreg:$0x1] =	wrdreg $0xFFFFFFFF  }
0xa7: {  	s28 =	simm.s32 $_size_execute0_lowered;
	s3 =	sadd.s32 s3, s5;
	[dreg:$0x0] =	wrdreg $0x0  }
0xa8: {  	s5 =	sshll.u32 s28, $0x1;
	[dreg:$0x2] =	wrdreg s3  }
0xa9: {  	[dreg:$0x3] =	wrdreg s5  }
0xaa: {  	[dreg:$0x4] =	wrdreg $0xC0  }
0xab: {  	_ =	task [dreg:s7], $0x5FFFF  }
0xac: {  	[dreg:$0x1] =	wrdreg $0xFFFFFFFF  }
0xad: {  	[dreg:$0x0] =	wrdreg $0x60  }
0xae: {  	[dreg:$0x2] =	wrdreg s24  }
0xaf: {  	[dreg:$0x3] =	wrdreg s2  }
0xb0: {  	[dreg:$0x4] =	wrdreg $0x5F000  }
0xb1: {  	[dreg:$0x5] =	wrdreg $0x86800  }
0xb2: {  	[dreg:$0x6] =	wrdreg $0x9  }
0xb3: {  	_ =	task.clear_ibuf [dreg:s7], $0x7FFFF;
	_ =	strace $0x90000049  }
0xb4: {  	s29 =	simm.s32 $0x9;
	_ =	strace $0x8000004B  }
0xb5: {  	_ =	swait.ge [sflag:s29], $0x1  }
0xb6: {  	[sflag:s29] =	ssyncadd.s32 $0xFFFFFFFF  }
0xb7: {  	_ =	strace $0x9000004B  }
0xb8: {  	_ =	sfence  }
0xb9: {  	s30 =	sld [smem:$0x0];
	_ =	sdelay $0x2  }
0xba: {  	s31 =	sshll.u32 s1, $0xD;
	s1 =	sshrl.u32 s1, $0x2  }
0xbb: {  	s3 =	sand.u32 $0x4000, s31;
	s1 =	sadd.s32 s1, s30  }
0xbc: {  	s0 =	sor.u32 s3, s0;
	s1 =	sshll.u32 s1, $0x11  }
0xbd: {  	s0 =	sor.u32 s1, s0  }
0xbe: {  	s0 =	sadd.s32 $0x8F2B, s0  }
0xbf: {  	[sflag:s0] =	ssyncadd.remote.s32 $0x1  }
0xc0: {  	_ =	sfence.sel $0xFFFF  }
0xc1: {  	[dreg:$0x0] =	wrdreg $0xFFFFFFFF;
	(pc) =	sbr.abs _section_cstart, $3  }
0xc2: {  	[dreg:$0x1] =	wrdreg $0xFFFFFFFF  }
0xc3: {  	_ =	task.clear_ibuf [dreg:s7], $0x2FFFF;
	_ =	strace $0x9FFFFFFF  }
0xc4: {  	(tm) =	ssettm $0x7FFFFFFF  }
0xc5: {  	_ =	shalt  }
tec
execute0_lowered:
.L_overlay_start_1:
0x0: {  	(tag) =	ssettag $0x1  }
0x1: {  	s5 =	rddreg [dreg:$0x0]  }
0x2: {  	s6 =	rddreg [dreg:$0x1]  }
0x3: {  	s2 =	rddreg [dreg:$0x2]  }
0x4: {  	s3 =	rddreg [dreg:$0x3]  }
0x5: {  	s0 =	rddreg [dreg:$0x4];
	s1 =	stileid.u32  }
0x6: {  	s4 =	simm.s32 $0x0;
	s8 =	srdreg.scid;
	s17 =	simm.s32 $0x100  }
0x7: {  	s18 =	simm.s32 $0x5700;
	s19 =	simm.s32 $0x1;
	s20 =	simm.s32 $0x2  }
0x8: {  	s21 =	simm.s32 $0x3;
	s22 =	simm.s32 $0x4;
	s23 =	simm.s32 $0x4C80  }
0x9: {  	s24 =	simm.s32 $0x4D80;
	s25 =	simm.s32 $0x0;
	s7 =	smul.u32 $0x2780, s1  }
0xa: {  	[smem:$0x7FF] =	sst s4;
	s9 =	smul.u32 $0x2710, s1;
	s8 =	sand.u32 $0x1, s8  }
0xb: {  	s15 =	sshll.u32 s1, $0x5;
	s31 =	sshll.u32 s1, $0x6;
	_ =	strace $0x8000004A  }
0xc: {  	s11 =	smul.u32 $0x27800, s8;
	s13 =	sshll.u32 s8, $0x4;
	s8 =	ssub.s32 $0x2, s8  }
0xd: {  	s10 =	sshrl.u32 s7, $0x3;
	s12 =	sshrl.u32 s9, $0x3;
	s13 =	sor.u32 s1, s13  }
0xe: {  	s28 =	sshrl.u32 s8, $0x1;
	s29 =	sadd.s32 s7, s2;
	s30 =	sadd.s32 s9, s3  }
0xf: {  	s10 =	sadd.s32 s10, s5;
	s12 =	sadd.s32 s12, s5;
	s11 =	sadd.s32 s7, s11  }
0x10: {  	s14 =	smul.u32 $0x9C0, s13;
	s16 =	ssub.s32 s8, s28;
	p0 =	sgt.u32 s13, $0x3  }
0x11: {  	s13 =	sshrl.u32 s29, $0x3;
	s11 =	sshrl.u32 s11, $0x3;
	s7 =	sadd.s32 $0x7C00, s10  }
0x12: {  	s8 =	sadd.s32 $0x2C00, s12;
	s10 =	smax.u32 s16, $0x1;
	s12 =	sor.u32 $0x1C05, s31  }
0x13: {  	s16 =	simm.s32 $0x4F00;
	s11 =	sadd.s32 s11, s5;
	s5 =	sadd.s32 s6, s14  }
0x14: {  	s6 =	sadd.s32 s15, s6;
	s14 =	sshrl.u32 s30, $0x3;
	s15 =	simm.s32 $0x80  }
0x15: {  	s6 =	sadd.s32 $0x13800, s6;
	s9 =	sadd.s32 $0xCC00, s11;
	s11 =	simm.s32 $0x5  }
.LBB2_1:
0x16: {  	[tilespmem:s4], [sflag:$0x5] =	stream.linear.gather [hbm4b:s5+s4], $0x4E00, $0x38;
	[tilespmem:$0xAD90] =	vst v63  }
0x17: {  	_ =	swait.ge [sflag:s11], $0x4E00  }
0x18: {  	[sflag:s11] =	ssyncset.done $0x0  }
0x19: {  	s26 =	simm.s32 @!p0 $0x0;
	s28 =	simm.s32 @!p0 $0x4E00;
	[sflag:s11] =	ssyncadd.s32 $0xFFFFB200  }
0x1a: {  	[tilespmem:s28], [sflag:$0x5] =	stream.linear.gather @!p0 [hbm4b:s6+s26], $0x100, $0x38;
	[tilespmem:$0xAD90] =	vst v63  }
0x1b: {  	s26 =	simm.s32 @!p0 $0x5  }
0x1c: {  	_ =	swait.ge @!p0 [sflag:s26], $0x100  }
0x1d: {  	[sflag:s26] =	ssyncset.done @!p0 $0x0  }
0x1e: {  	[sflag:s26] =	ssyncadd.s32 @!p0 $0xFFFFFF00  }
0x1f: {  	[spmem:s13], [sflag:s12] =	dma.local [hbm:s7], $0x4F0  }
0x20: {  	_ =	swait.ge [sflag:s11], $0x4F0  }
0x21: {  	[sflag:s11] =	ssyncset.done $0x0  }
0x22: {  	[sflag:s11] =	ssyncadd.s32 $0xFFFFFB10  }
0x23: {  	[spmem:s14], [sflag:s12] =	dma.local [hbm:s8], $0x4E2  }
0x24: {  	_ =	swait.ge [sflag:s11], $0x4E2  }
0x25: {  	[sflag:s11] =	ssyncset.done $0x0  }
0x26: {  	[sflag:s11] =	ssyncadd.s32 $0xFFFFFB1E  }
0x27: {  	[bflag:$0x0] =	sbarrier.arrive $0xFFFF  }
0x28: {  	[tilespmem:s16], [sflag:$0x1] =	stream.indirect.gather [spmem:s3], $0x10, s4, s15, $0xb8;
	[tilespmem:$0xAD90] =	vst v63  }
0x29: {  	_ = 	snop  }
0x2a: {  	[tilespmem:s18], [sflag:$0x2] =	stream.indirect.gather [spmem:s3], $0x10, s17, s15, $0xb8;
	[tilespmem:$0xAD90] =	vst v63  }
0x2b: {  	_ =	swait.ge [sflag:s19], $0x800  }
0x2c: {  	[sflag:s19] =	ssyncset.done $0x0  }
0x2d: {  	s29 =	simm.s32 $0x80;
	[sflag:s19] =	ssyncadd.s32 $0xFFFFF800  }
0x2e: {  	[spmem:s2] =	stream.indirect.scatter.add.f32 [tilespmem:s16], [sflag:$0x3], $0x10, s29, s15, $0xb8;
	[tilespmem:$0xAD90] =	vst v63  }
0x2f: {  	_ =	swait.ge [sflag:s20], $0x800  }
0x30: {  	[sflag:s20] =	ssyncset.done $0x0  }
0x31: {  	s30 =	simm.s32 $0x180;
	[sflag:s20] =	ssyncadd.s32 $0xFFFFF800  }
0x32: {  	[spmem:s2] =	stream.indirect.scatter.add.f32 [tilespmem:s18], [sflag:$0x4], $0x10, s30, s15, $0xb8;
	[tilespmem:$0xAD90] =	vst v63  }
0x33: {  	_ =	swait.ge [sflag:s21], $0x800  }
0x34: {  	[sflag:s21] =	ssyncset.done $0x0  }
0x35: {  	s31 =	simm.s32 $0x200;
	[sflag:s21] =	ssyncadd.s32 $0xFFFFF800  }
0x36: {  	[tilespmem:s16], [sflag:$0x1] =	stream.indirect.gather [spmem:s3], $0x10, s31, s15, $0xb8;
	[tilespmem:$0xAD90] =	vst v63  }
0x37: {  	_ =	swait.ge [sflag:s22], $0x800  }
0x38: {  	[sflag:s22] =	ssyncset.done $0x0  }
0x39: {  	s28 =	simm.s32 $0x300;
	s26 =	simm.s32 $0xFFFED800;
	[sflag:s22] =	ssyncadd.s32 $0xFFFFF800  }
.LBB2_2:
0x3a: {  	[tilespmem:s18], [sflag:$0x2] =	stream.indirect.gather [spmem:s3], $0x10, s28, s15, $0xb8;
	[tilespmem:$0xAD90] =	vst v63  }
0x3b: {  	s28 =	smov.u32 s26  }
0x3c: {  	p1 =	sne.s32 s26, $0xFFFFF800;
	s26 =	sadd.s32 $0x800, s26;
	_ =	swait.ge [sflag:s19], $0x800  }
0x3d: {  	s28 =	sshra.s32 s28, $0x2;
	[sflag:s19] =	ssyncset.done $0x0  }
0x3e: {  	s29 =	sadd.s32 $0x4C80, s28;
	[sflag:s19] =	ssyncadd.s32 $0xFFFFF800  }
0x3f: {  	[spmem:s2] =	stream.indirect.scatter.add.f32 [tilespmem:s16], [sflag:$0x3], $0x10, s29, s15, $0xb8;
	[tilespmem:$0xAD90] =	vst v63  }
0x40: {  	_ =	swait.ge [sflag:s20], $0x800  }
0x41: {  	[sflag:s20] =	ssyncset.done $0x0  }
0x42: {  	s29 =	sadd.s32 $0x4D80, s28;
	[sflag:s20] =	ssyncadd.s32 $0xFFFFF800  }
0x43: {  	[spmem:s2] =	stream.indirect.scatter.add.f32 [tilespmem:s18], [sflag:$0x4], $0x10, s29, s15, $0xb8;
	[tilespmem:$0xAD90] =	vst v63  }
0x44: {  	_ =	swait.ge [sflag:s21], $0x800  }
0x45: {  	[sflag:s21] =	ssyncset.done $0x0  }
.Ltmp0:
0x46: {  	s29 =	sadd.s32 $0x4E00, s28;
	[sflag:s21] =	ssyncadd.s32 $0xFFFFF800;
	(pc) =	sbr.rel @p1 .LBB2_2-.Ltmp0, $4  }
0x47: {  	[tilespmem:s16], [sflag:$0x1] =	stream.indirect.gather [spmem:s3], $0x10, s29, s15, $0xb8;
	[tilespmem:$0xAD90] =	vst v63  }
0x48: {  	_ =	swait.ge [sflag:s22], $0x800  }
0x49: {  	[sflag:s22] =	ssyncset.done $0x0  }
0x4a: {  	s28 =	sadd.s32 $0x4F00, s28;
	[sflag:s22] =	ssyncadd.s32 $0xFFFFF800  }
0x4b: {  	[tilespmem:s18], [sflag:$0x2] =	stream.indirect.gather [spmem:s3], $0x10, s28, s15, $0xb8;
	[tilespmem:$0xAD90] =	vst v63  }
0x4c: {  	_ =	swait.ge [sflag:s19], $0x800  }
0x4d: {  	[sflag:s19] =	ssyncset.done $0x0  }
0x4e: {  	[sflag:s19] =	ssyncadd.s32 $0xFFFFF800  }
0x4f: {  	[spmem:s2] =	stream.indirect.scatter.add.f32 [tilespmem:s16], [sflag:$0x3], $0x10, s23, s15, $0xb8;
	[tilespmem:$0xAD90] =	vst v63  }
0x50: {  	_ =	swait.ge [sflag:s20], $0x800  }
0x51: {  	[sflag:s20] =	ssyncset.done $0x0  }
0x52: {  	[sflag:s20] =	ssyncadd.s32 $0xFFFFF800  }
0x53: {  	[spmem:s2] =	stream.indirect.scatter.add.f32 [tilespmem:s18], [sflag:$0x4], $0x10, s24, s15, $0xb8;
	[tilespmem:$0xAD90] =	vst v63  }
0x54: {  	_ =	swait.ge [sflag:s21], $0x800  }
0x55: {  	[sflag:s21] =	ssyncset.done $0x0  }
0x56: {  	[sflag:s21] =	ssyncadd.s32 $0xFFFFF800  }
0x57: {  	_ =	swait.ge [sflag:s22], $0x800  }
0x58: {  	s26 =	simm.s32 @!p0 $0x80;
	[sflag:s22] =	ssyncset.done $0x0  }
0x59: {  	s28 =	simm.s32 @!p0 $0x4E00;
	s29 =	simm.s32 @!p0 $0x4F00;
	[sflag:s22] =	ssyncadd.s32 $0xFFFFF800  }
0x5a: {  	[tilespmem:s29], [sflag:$0x1] =	stream.indirect.gather @!p0 [spmem:s3], $0x10, s28, s26, $0xb8;
	[tilespmem:$0xAD90] =	vst v63  }
0x5b: {  	s28 =	simm.s32 @!p0 $0x1  }
0x5c: {  	_ =	swait.ge @!p0 [sflag:s28], $0x800  }
0x5d: {  	[sflag:s28] =	ssyncset.done @!p0 $0x0  }
0x5e: {  	[sflag:s28] =	ssyncadd.s32 @!p0 $0xFFFFF800;
	s28 =	simm.s32 @!p0 $0x4E80  }
0x5f: {  	[spmem:s2] =	stream.indirect.scatter.add.f32 @!p0 [tilespmem:s29], [sflag:$0x3], $0x10, s28, s26, $0xb8;
	[tilespmem:$0xAD90] =	vst v63  }
0x60: {  	s26 =	simm.s32 @!p0 $0x3  }
0x61: {  	_ =	swait.ge @!p0 [sflag:s26], $0x800  }
0x62: {  	s25 =	sadd.s32 $0x1, s25;
	[sflag:s26] =	ssyncset.done @!p0 $0x0  }
0x63: {  	p1 =	sne.s32 s25, s10;
	[sflag:s26] =	ssyncadd.s32 @!p0 $0xFFFFF800  }
.Ltmp1:
0x64: {  	[bflag:$0x0] =	sbarrier.arrive $0xFFFF;
	(pc) =	sbr.rel @p1 .LBB2_1-.Ltmp1, $4  }
0x65: {  	[hbm:s9], [sflag:s12] =	dma.local [spmem:s13], $0x4F0  }
0x66: {  	_ =	swait.ge [sflag:s11], $0x4F0  }
0x67: {  	[sflag:s11] =	ssyncset.done $0x0  }
0x68: {  	[sflag:s11] =	ssyncadd.s32 $0xFFFFFB10  }
0x69: {  	_ =	sfence.sel $0x180000  }
0x6a: {  	[bflag:$0x0] =	sbarrier.arrive $0xFFFF  }
0x6b: {  	p0 =	sne.s32 s1, $0x0;
	_ =	strace $0x9000004A  }
0x6c: {  	s0 =	sadd.s32 @!p0 $0x100000, s0;
	[bflag:$0x2] =	sbarrier.arrive $0xFFFF  }
0x6d: {  	[sflag:s0] =	ssyncadd.tile.s32 @!p0 $0x1;
	_ =	shalt  }
.Lfunc_end2:
_tile_overlayer_lowered:
.L_overlay_start_2:
0x6e: {  	(tag) =	ssettag $0x2  }
0x6f: {  	s0 =	rddreg [dreg:$0x0];
	s2 =	stileid.u32  }
0x70: {  	s1 =	rddreg [dreg:$0x1];
	p0 =	sne.s32 s2, $0x0  }
0x71: {  	s3 =	rddreg [dreg:$0x2];
	[bflag:$0x3] =	sbarrier.arrive $0xFFFF;
	s2 =	simm.s32 @!p0 $0x1C05  }
0x72: {  	[timem:s3], [sflag:s2] =	dma.local @!p0 [hbm:s0], s1  }
0x73: {  	s0 =	simm.s32 @!p0 $0x5  }
0x74: {  	_ =	swait.ge @!p0 [sflag:s0], s1  }
0x75: {  	s1 =	ssub.s32 @!p0 $0x0, s1;
	[sflag:s0] =	ssyncset.done @!p0 $0x0  }
0x76: {  	[sflag:s0] =	ssyncadd.s32 @!p0 s1  }
0x77: {  	[bflag:$0x3] =	sbarrier.arrive $0xFFFF  }
0x78: {  	_ =	shalt  }

// kernel: kernel.7.cloned.1.call-start
scs
__scs_entry_jumppad:
0x0: {  	(pc) =	sbr.rel $0x88, $3  }
0x1: {  	(tag) =	ssettag $0x0;
	lr =	simm.s32 $0x1  }
0x2: {  	[smem:$0x3F97] =	sst lr;
	_ =	strace $0xD0000000  }
0x3: {  	_ = 	snop  }
0x4: {  	_ = 	snop  }
0x5: {  	_ = 	snop  }
0x6: {  	_ = 	snop  }
0x7: {  	_ = 	snop  }
__scs_overlays_trampoline_lowered:
0x8: {  	[smem:$0x3FA6] =	sst s0  }
0x9: {  	[smem:$0x3FA7] =	sst s1  }
0xa: {  	[smem:$0x3FA8] =	sst s2  }
0xb: {  	[smem:$0x3FA9] =	sst s3  }
0xc: {  	[smem:$0x3FAA] =	sst s4  }
0xd: {  	[smem:$0x3FAB] =	sst s5  }
0xe: {  	[smem:$0x3FAC] =	sst s6  }
0xf: {  	[smem:$0x3FAD] =	sst s7  }
0x10: {  	[smem:$0x3FAE] =	sst s8  }
0x11: {  	[smem:$0x3FAF] =	sst s9;
	s0 =	simm.s32 @!p0 $0x0  }
0x12: {  	s1 =	sld [smem:$0x3F95];
	s0 =	simm.s32 @p0 $0x1  }
0x13: {  	[smem:$0x3FB0] =	sst s0;
	s0 =	simm.s32 @!p1 $0x0  }
0x14: {  	s2 =	sld [smem:$0x3F94];
	s0 =	simm.s32 @p1 $0x1  }
0x15: {  	[smem:$0x3FB1] =	sst s0;
	s0 =	simm.s32 @!p2 $0x0  }
0x16: {  	s3 =	sld [smem:$0x3FDB];
	s0 =	simm.s32 @p2 $0x1  }
0x17: {  	s4 =	simm.s32 $0x1BF5;
	[smem:$0x3FB3] =	sst s0  }
0x18: {  	s0 =	sld [smem:$0x3F96];
	_ =	swait.ge [sflag:s4], $0x0  }
0x19: {  	s7 =	sld [smem:$0x3F97]  }
0x1a: {  	s8 =	sadd.s32 $0xFFFFE003, lr  }
0x1b: {  	s9 =	sadd.s32 $0xFFFFFEF7, lr;
	s5 =	simm.s32 $0xFFFFFFFF;
	p2 =	slt.u32 s8, $0xFFFFF086  }
0x1c: {  	p1 =	slt.u32 s9, $0xF7A;
	s5 =	simm.s32 @!p2 $0x0  }
0x1d: {  	s5 =	simm.s32 @p1 $0x1;
	p0 =	seq.s32 s7, s2  }
0x1e: {  	s7 =	smul.u32 @!p0 $0xF7A, s2;
	p2 =	seq.s32 @!p0 s5, $0x0  }
0x1f: {  	s9 =	smul.u32 $0xF7A, s1;
	s8 =	simm.s32 @!p0 $0x1BF5;
	p2 =	por !p2, p0  }
0x20: {  	[sflag:s8] =	ssyncset.s32 @!p0 $0xFFFFF086;
	s6 =	sadd.s32 @!p0 s3, s7;
	s7 =	simm.s32 @!p0 $0x108  }
0x21: {  	s3 =	sadd.s32 s3, s9;
	s6 =	sadd.s32 @!p0 $0x88, s6;
	s7 =	simm.s32 @p2 $0x1082  }
0x22: {  	[simem:s7], [sflag:s8] =	dma.local @!p0 [hbm:s6], $0xF7A  }
0x23: {  	s9 =	sor.u32 $0xD0000000, s2;
	s6 =	simm.s32 $0x108;
	_ =	swait.ge @!p0 [sflag:s8], $0x0  }
0x24: {  	s3 =	sadd.s32 $0x88, s3;
	s6 =	simm.s32 @!p1 $0x1082;
	[sflag:s4] =	ssyncset.s32 $0xFFFFF086  }
0x25: {  	[simem:s6], [sflag:s4] =	dma.local [hbm:s3], $0xF7A  }
0x26: {  	[smem:$0x3F97] =	sst s1;
	(tag) =	ssettag s2;
	_ =	strace s9  }
0x27: {  	s1 =	sld [smem:$0x3FA7]  }
0x28: {  	s2 =	sld [smem:$0x3FA8]  }
0x29: {  	s4 =	sld [smem:$0x3FAA]  }
0x2a: {  	p0 =	seq.s32 s5, $0x0;
	s5 =	sld [smem:$0x3FAB]  }
0x2b: {  	s6 =	sld [smem:$0x3FAC]  }
0x2c: {  	s7 =	sld [smem:$0x3FAD]  }
0x2d: {  	s3 =	simm.s32 $0x108;
	s8 =	sld [smem:$0x3FAE]  }
0x2e: {  	s3 =	simm.s32 @!p0 $0x1082;
	s9 =	sld [smem:$0x3FAF]  }
0x2f: {  	lr =	sadd.s32 s0, s3;
	s0 =	sld [smem:$0x3FA6]  }
0x30: {  	s3 =	sld [smem:$0x3FA9]  }
0x31: {  	[smem:$0x3FB2] =	sst s10  }
0x32: {  	s10 =	sld [smem:$0x3FB0];
	_ =	sdelay $0x3  }
0x33: {  	p0 =	seq.s32 s10, $0x1;
	s10 =	sld [smem:$0x3FB2];
	_ =	sdelay $0x3  }
0x34: {  	[smem:$0x3FB2] =	sst s10  }
0x35: {  	s10 =	sld [smem:$0x3FB1];
	_ =	sdelay $0x3  }
0x36: {  	p1 =	seq.s32 s10, $0x1;
	s10 =	sld [smem:$0x3FB2];
	_ =	sdelay $0x3  }
0x37: {  	[smem:$0x3FB2] =	sst s10  }
0x38: {  	s10 =	sld [smem:$0x3FB3]  }
0x39: {  	_ = 	snop;
	(pc) =	sbr.ind lr, $3  }
0x3a: {  	_ = 	snop  }
0x3b: {  	_ = 	snop  }
0x3c: {  	p2 =	seq.s32 s10, $0x1;
	s10 =	sld [smem:$0x3FB2]  }
0x3d: {  	_ =	shalt  }
0x3e: {  	_ =	shalt  }
0x3f: {  	_ =	shalt  }
0x40: {  	_ =	shalt  }
0x41: {  	_ =	shalt  }
0x42: {  	_ =	shalt  }
0x43: {  	_ =	shalt  }
0x44: {  	_ =	shalt  }
0x45: {  	_ =	shalt  }
0x46: {  	_ =	shalt  }
0x47: {  	_ =	shalt  }
0x48: {  	_ =	shalt  }
0x49: {  	_ =	shalt  }
0x4a: {  	_ =	shalt  }
0x4b: {  	_ =	shalt  }
0x4c: {  	_ =	shalt  }
0x4d: {  	_ =	shalt  }
0x4e: {  	_ =	shalt  }
0x4f: {  	_ =	shalt  }
0x50: {  	_ =	shalt  }
0x51: {  	_ =	shalt  }
0x52: {  	_ =	shalt  }
0x53: {  	_ =	shalt  }
0x54: {  	_ =	shalt  }
0x55: {  	_ =	shalt  }
0x56: {  	_ =	shalt  }
0x57: {  	_ =	shalt  }
0x58: {  	_ =	shalt  }
0x59: {  	_ =	shalt  }
0x5a: {  	_ =	shalt  }
0x5b: {  	_ =	shalt  }
0x5c: {  	_ =	shalt  }
0x5d: {  	_ =	shalt  }
0x5e: {  	_ =	shalt  }
0x5f: {  	_ =	shalt  }
0x60: {  	_ =	shalt  }
0x61: {  	_ =	shalt  }
0x62: {  	_ =	shalt  }
0x63: {  	_ =	shalt  }
0x64: {  	_ =	shalt  }
0x65: {  	_ =	shalt  }
0x66: {  	_ =	shalt  }
0x67: {  	_ =	shalt  }
0x68: {  	_ =	shalt  }
0x69: {  	_ =	shalt  }
0x6a: {  	_ =	shalt  }
0x6b: {  	_ =	shalt  }
0x6c: {  	_ =	shalt  }
0x6d: {  	_ =	shalt  }
0x6e: {  	_ =	shalt  }
0x6f: {  	_ =	shalt  }
0x70: {  	_ =	shalt  }
0x71: {  	_ =	shalt  }
0x72: {  	_ =	shalt  }
0x73: {  	_ =	shalt  }
0x74: {  	_ =	shalt  }
0x75: {  	_ =	shalt  }
0x76: {  	_ =	shalt  }
0x77: {  	_ =	shalt  }
0x78: {  	_ =	shalt  }
0x79: {  	_ =	shalt  }
0x7a: {  	_ =	shalt  }
0x7b: {  	_ =	shalt  }
0x7c: {  	_ =	shalt  }
0x7d: {  	_ =	shalt  }
0x7e: {  	_ =	shalt  }
0x7f: {  	_ =	shalt  }
0x80: {  	_ =	shalt  }
0x81: {  	_ =	shalt  }
0x82: {  	_ =	shalt  }
0x83: {  	_ =	shalt  }
0x84: {  	_ =	shalt  }
0x85: {  	_ =	shalt  }
0x86: {  	_ =	shalt  }
0x87: {  	_ =	shalt  }
.Lfunc_end0:
.L_simem_size_0:
called_computation_lowered:
.L_overlay_start_0:
0x88: {  	s2 =	sld [smem:$0x3FD9]  }
0x89: {  	s3 =	sld [smem:$0x3FFE];
	_ =	sdelay $0x1  }
0x8a: {  	s1 =	srdreg.scid  }
0x8b: {  	s0 =	sand.u32 $0x1, s1  }
0x8c: {  	s17 =	sshll.u32 s0, $0xA;
	s2 =	sadd.s32 s3, s2  }
0x8d: {  	s2 =	sadd.s32 s2, s17  }
0x8e: {  	[smem:$0x3FBE] =	sst s2  }
0x8f: {  	_ = 	snop  }
0x90: {  	s2 =	sld [smem:$0x3FC8]  }
0x91: {  	s18 =	sld [smem:$0x3FD0];
	(tm) =	ssettm $0x1  }
0x92: {  	s4 =	sld [smem:$0x3FFB];
	_ =	sdelay $0x3  }
0x93: {  	_ =	strace s4  }
0x94: {  	s4 =	sld [smem:$0x3FFC];
	_ =	sdelay $0x3  }
0x95: {  	_ =	strace s4  }
0x96: {  	s4 =	sld [smem:$0x3FFD];
	_ =	sdelay $0x3  }
0x97: {  	_ =	strace s4  }
0x98: {  	_ =	strace $0x8FFFFFFF  }
0x99: {  	s19 =	sld [smem:$0x3FDB];
	_ =	sdelay $0x1  }
0x9a: {  	s5 =	simm.s32 $_scs_section_size  }
0x9b: {  	s6 =	simm.s32 $_size__tile_overlayer_lowered;
	s7 =	simm.s32 $_tile_overlayer_lowered  }
0x9c: {  	s22 =	simm.s32 $0x1BFF;
	s21 =	sshll.u32 s7, $0x1;
	s4 =	sadd.s32 s5, s19  }
0x9d: {  	s8 =	simm.s32 $0x0;
	s20 =	sshll.u32 s6, $0x1;
	s6 =	sadd.s32 s21, s4  }
0x9e: {  	[timem:s8], [sflag:s22] =	dma.local [hbm:s6], s20  }
0x9f: {  	_ =	swait.ge [sflag:s22], s20  }
0xa0: {  	s5 =	ssub.s32 $0x0, s20;
	[sflag:s22] =	ssyncset.done $0x0  }
0xa1: {  	[sflag:s22] =	ssyncadd.s32 s5;
	_ =	sdelay $0x1  }
0xa2: {  	s23 =	simm.s32 $0x1B8B  }
0xa3: {  	_ =	swait.ge [sflag:s23], $0x1  }
0xa4: {  	[sflag:s23] =	ssyncset.done $0x0  }
0xa5: {  	s25 =	simm.s32 $0x1B8E;
	s24 =	sld [smem:$0x3FFE];
	[sflag:s23] =	ssyncadd.s32 $0xFFFFFFFF  }
0xa6: {  	s26 =	simm.s32 $execute0_lowered;
	[smem:$0x3FD2] =	sst s25  }
0xa7: {  	s6 =	sshll.u32 s26, $0x1;
	_ =	strace $0x80000046;
	[dreg:$0x1] =	wrdreg $0xFFFFFFFF  }
0xa8: {  	s28 =	simm.s32 $_size_execute0_lowered;
	s4 =	sadd.s32 s4, s6;
	[dreg:$0x0] =	wrdreg $0x0  }
0xa9: {  	s6 =	sshll.u32 s28, $0x1;
	[dreg:$0x2] =	wrdreg s4  }
0xaa: {  	[dreg:$0x3] =	wrdreg s6  }
0xab: {  	[dreg:$0x4] =	wrdreg $0xC0  }
0xac: {  	_ =	task [dreg:s8], $0x5FFFF  }
0xad: {  	[dreg:$0x1] =	wrdreg $0xFFFFFFFF  }
0xae: {  	[dreg:$0x0] =	wrdreg $0x60  }
0xaf: {  	[dreg:$0x2] =	wrdreg s24  }
0xb0: {  	[dreg:$0x3] =	wrdreg s18  }
0xb1: {  	[dreg:$0x4] =	wrdreg s2  }
0xb2: {  	[dreg:$0x5] =	wrdreg $0x67000  }
0xb3: {  	[dreg:$0x6] =	wrdreg $0xB6000  }
0xb4: {  	[dreg:$0x7] =	wrdreg $0x8E800  }
0xb5: {  	[dreg:$0x8] =	wrdreg $0x9  }
0xb6: {  	_ =	task.clear_ibuf [dreg:s8], $0x9FFFF;
	_ =	strace $0x90000046  }
0xb7: {  	s29 =	simm.s32 $0x9;
	_ =	strace $0x80000048  }
0xb8: {  	_ =	swait.ge [sflag:s29], $0x1  }
0xb9: {  	[sflag:s29] =	ssyncadd.s32 $0xFFFFFFFF  }
0xba: {  	_ =	strace $0x90000048  }
0xbb: {  	_ =	sfence  }
0xbc: {  	s30 =	sld [smem:$0x0];
	_ =	sdelay $0x2  }
0xbd: {  	s31 =	sshll.u32 s1, $0xD;
	s1 =	sshrl.u32 s1, $0x2  }
0xbe: {  	s3 =	sand.u32 $0x4000, s31;
	s1 =	sadd.s32 s1, s30  }
0xbf: {  	s0 =	sor.u32 s3, s0;
	s1 =	sshll.u32 s1, $0x11  }
0xc0: {  	s0 =	sor.u32 s1, s0  }
0xc1: {  	s0 =	sadd.s32 $0x8F2B, s0  }
0xc2: {  	[sflag:s0] =	ssyncadd.remote.s32 $0x1  }
0xc3: {  	_ =	sfence.sel $0xFFFF  }
0xc4: {  	[dreg:$0x0] =	wrdreg $0xFFFFFFFF;
	(pc) =	sbr.abs _section_cstart, $3  }
0xc5: {  	[dreg:$0x1] =	wrdreg $0xFFFFFFFF  }
0xc6: {  	_ =	task.clear_ibuf [dreg:s8], $0x2FFFF;
	_ =	strace $0x9FFFFFFF  }
0xc7: {  	(tm) =	ssettm $0x7FFFFFFF  }
tec
execute0_lowered:
.L_overlay_start_1:
0x0: {  	(tag) =	ssettag $0x1  }
0x1: {  	s0 =	rddreg [dreg:$0x0]  }
0x2: {  	s1 =	rddreg [dreg:$0x2]  }
0x3: {  	s3 =	rddreg [dreg:$0x3]  }
0x4: {  	s4 =	rddreg [dreg:$0x4]  }
0x5: {  	s5 =	rddreg [dreg:$0x5];
	s16 =	stileid.u32  }
0x6: {  	s6 =	simm.s32 $0x0;
	s7 =	srdreg.scid;
	s28 =	simm.s32 $0x5  }
0x7: {  	s29 =	simm.s32 $0x4;
	s30 =	simm.s32 $0x6;
	s2 =	smul.u32 $0x2780, s16  }
0x8: {  	s31 =	simm.s32 $0x4C80;
	[smem:$0x7FF] =	sst s6;
	s10 =	smul.u32 $0x2710, s16  }
0x9: {  	s7 =	sand.u32 $0x1, s7;
	s23 =	sshll.u32 s16, $0x5;
	s26 =	sshll.u32 s16, $0x6  }
0xa: {  	_ =	strace $0x80000047;
	s9 =	smul.u32 $0x27800, s7;
	s12 =	sshll.u32 s7, $0x4  }
0xb: {  	s7 =	ssub.s32 $0x2, s7;
	s8 =	sshrl.u32 s2, $0x3;
	s19 =	sshrl.u32 s10, $0x3  }
0xc: {  	s14 =	sor.u32 s16, s12;
	s22 =	sshrl.u32 s7, $0x1;
	s25 =	sadd.s32 s2, s3  }
0xd: {  	s17 =	sadd.s32 s10, s4;
	s11 =	sadd.s32 s8, s0;
	s13 =	sadd.s32 s19, s0  }
0xe: {  	s20 =	sadd.s32 s2, s9;
	s21 =	smul.u32 $0x9C0, s14;
	s15 =	ssub.s32 s7, s22  }
0xf: {  	s2 =	sadd.s32 s2, s5;
	p0 =	sgt.u32 s14, $0x3;
	s14 =	simm.s32 $0x7  }
0x10: {  	s16 =	sshrl.u32 s25, $0x3;
	s17 =	sshrl.u32 s17, $0x3;
	s19 =	simm.s32 $0x5F00  }
0x11: {  	s25 =	simm.s32 $0x2;
	s8 =	sshrl.u32 s20, $0x3;
	s9 =	sadd.s32 $0x7C00, s11  }
0x12: {  	s10 =	sadd.s32 $0x2C00, s13;
	s13 =	smax.u32 s15, $0x1;
	s15 =	sor.u32 $0x1C07, s26  }
0x13: {  	s18 =	sshrl.u32 s2, $0x3;
	s20 =	simm.s32 $0x80;
	s26 =	simm.s32 $0x3  }
0x14: {  	s2 =	simm.s32 $0x0;
	s0 =	sadd.s32 s8, s0;
	s24 =	sadd.s32 s1, s21  }
0x15: {  	s1 =	sadd.s32 s23, s1;
	s21 =	simm.s32 $0x4F00;
	s23 =	simm.s32 $0x5700  }
0x16: {  	[dreg:$0x7] =	wrdreg s24;
	s8 =	sadd.s32 $0x13800, s1;
	s11 =	sadd.s32 $0xCC00, s0  }
0x17: {  	s12 =	sadd.s32 $0x16A00, s0;
	s24 =	simm.s32 $0x1;
	s0 =	simm.s32 $0x4D80  }
.LBB2_1:
0x18: {  	s1 =	rddreg [dreg:$0x7]  }
0x19: {  	[tilespmem:s6], [sflag:$0x7] =	stream.linear.gather [hbm4b:s1+s6], $0x4E00, $0x38;
	[tilespmem:$0xDD10] =	vst v63  }
0x1a: {  	_ =	swait.ge [sflag:s14], $0x4E00  }
0x1b: {  	[sflag:s14] =	ssyncset.done $0x0  }
0x1c: {  	s22 =	simm.s32 @!p0 $0x4E00;
	s1 =	simm.s32 @!p0 $0x0;
	[sflag:s14] =	ssyncadd.s32 $0xFFFFB200  }
0x1d: {  	[tilespmem:s22], [sflag:$0x7] =	stream.linear.gather @!p0 [hbm4b:s8+s1], $0x100, $0x38;
	[tilespmem:$0xDD10] =	vst v63  }
0x1e: {  	s1 =	simm.s32 @!p0 $0x7  }
0x1f: {  	_ =	swait.ge @!p0 [sflag:s1], $0x100  }
0x20: {  	[sflag:s1] =	ssyncset.done @!p0 $0x0  }
0x21: {  	[sflag:s1] =	ssyncadd.s32 @!p0 $0xFFFFFF00  }
0x22: {  	[spmem:s16], [sflag:s15] =	dma.local [hbm:s9], $0x4F0  }
0x23: {  	_ =	swait.ge [sflag:s14], $0x4F0  }
0x24: {  	[sflag:s14] =	ssyncset.done $0x0  }
0x25: {  	[sflag:s14] =	ssyncadd.s32 $0xFFFFFB10  }
0x26: {  	[spmem:s17], [sflag:s15] =	dma.local [hbm:s10], $0x4E2  }
0x27: {  	_ =	swait.ge [sflag:s14], $0x4E2  }
0x28: {  	[sflag:s14] =	ssyncset.done $0x0  }
0x29: {  	[sflag:s14] =	ssyncadd.s32 $0xFFFFFB1E  }
0x2a: {  	[spmem:s18], [sflag:s15] =	dma.local [hbm:s9], $0x4F0  }
0x2b: {  	_ =	swait.ge [sflag:s14], $0x4F0  }
0x2c: {  	[sflag:s14] =	ssyncset.done $0x0  }
0x2d: {  	[sflag:s14] =	ssyncadd.s32 $0xFFFFFB10  }
0x2e: {  	s22 =	rddreg [dreg:$0x1]  }
0x2f: {  	[tilespmem:s19], [sflag:$0x7] =	stream.linear.gather [hbm4b:s22+s6], $0x800, $0x38;
	[tilespmem:$0xDD10] =	vst v63  }
0x30: {  	_ =	swait.ge [sflag:s14], $0x800  }
0x31: {  	[sflag:s14] =	ssyncset.done $0x0  }
0x32: {  	[sflag:s14] =	ssyncadd.s32 $0xFFFFF800  }
0x33: {  	[bflag:$0x0] =	sbarrier.arrive $0xFFFF  }
0x34: {  	[tilespmem:s21], [sflag:$0x1] =	stream.indirect.gather [spmem:s4], $0x10, s6, s20, $0xb8;
	[tilespmem:$0xDD10] =	vst v63  }
0x35: {  	s7 =	simm.s32 $0x100  }
0x36: {  	[tilespmem:s23], [sflag:$0x2] =	stream.indirect.gather [spmem:s4], $0x10, s7, s20, $0xb8;
	[tilespmem:$0xDD10] =	vst v63  }
0x37: {  	_ =	swait.ge [sflag:s24], $0x800  }
0x38: {  	[sflag:s24] =	ssyncset.done $0x0  }
0x39: {  	s22 =	simm.s32 $0x80;
	[sflag:s24] =	ssyncadd.s32 $0xFFFFF800  }
0x3a: {  	[spmem:s3] =	stream.indirect.scatter.add.f32 [tilespmem:s21], [sflag:$0x3], $0x10, s22, s20, $0xb8;
	[tilespmem:$0xDD10] =	vst v63  }
0x3b: {  	_ = 	snop  }
0x3c: {  	[spmem:s5] =	stream.indirect.scatter.add.f32 [tilespmem:s19], [sflag:$0x5], $0x10, s22, s20, $0xb8;
	[tilespmem:$0xDD10] =	vst v63  }
0x3d: {  	_ =	swait.ge [sflag:s25], $0x800  }
0x3e: {  	[sflag:s25] =	ssyncset.done $0x0  }
0x3f: {  	s7 =	simm.s32 $0x180;
	[sflag:s25] =	ssyncadd.s32 $0xFFFFF800  }
0x40: {  	[spmem:s3] =	stream.indirect.scatter.add.f32 [tilespmem:s23], [sflag:$0x4], $0x10, s7, s20, $0xb8;
	[tilespmem:$0xDD10] =	vst v63  }
0x41: {  	_ = 	snop  }
0x42: {  	[spmem:s5] =	stream.indirect.scatter.add.f32 [tilespmem:s19], [sflag:$0x6], $0x10, s7, s20, $0xb8;
	[tilespmem:$0xDD10] =	vst v63  }
0x43: {  	_ =	swait.ge [sflag:s26], $0x800  }
0x44: {  	[sflag:s26] =	ssyncset.done $0x0  }
0x45: {  	[sflag:s26] =	ssyncadd.s32 $0xFFFFF800  }
0x46: {  	_ =	swait.ge [sflag:s28], $0x800  }
0x47: {  	[sflag:s28] =	ssyncset.done $0x0  }
0x48: {  	s22 =	simm.s32 $0x200;
	[sflag:s28] =	ssyncadd.s32 $0xFFFFF800  }
0x49: {  	[tilespmem:s21], [sflag:$0x1] =	stream.indirect.gather [spmem:s4], $0x10, s22, s20, $0xb8;
	[tilespmem:$0xDD10] =	vst v63  }
0x4a: {  	_ =	swait.ge [sflag:s29], $0x800  }
0x4b: {  	[sflag:s29] =	ssyncset.done $0x0  }
0x4c: {  	[sflag:s29] =	ssyncadd.s32 $0xFFFFF800  }
0x4d: {  	_ =	swait.ge [sflag:s30], $0x800  }
0x4e: {  	[sflag:s30] =	ssyncset.done $0x0  }
0x4f: {  	s1 =	simm.s32 $0xFFFED800;
	s22 =	simm.s32 $0x300;
	[sflag:s30] =	ssyncadd.s32 $0xFFFFF800  }
.LBB2_2:
0x50: {  	[tilespmem:s23], [sflag:$0x2] =	stream.indirect.gather [spmem:s4], $0x10, s22, s20, $0xb8;
	[tilespmem:$0xDD10] =	vst v63  }
0x51: {  	s22 =	smov.u32 s1  }
0x52: {  	p1 =	sne.s32 s1, $0xFFFFF800;
	s1 =	sadd.s32 $0x800, s1;
	_ =	swait.ge [sflag:s24], $0x800  }
0x53: {  	s22 =	sshra.s32 s22, $0x2;
	[sflag:s24] =	ssyncset.done $0x0  }
0x54: {  	s7 =	sadd.s32 $0x4C80, s22;
	[sflag:s24] =	ssyncadd.s32 $0xFFFFF800  }
0x55: {  	[spmem:s3] =	stream.indirect.scatter.add.f32 [tilespmem:s21], [sflag:$0x3], $0x10, s7, s20, $0xb8;
	[tilespmem:$0xDD10] =	vst v63  }
0x56: {  	_ = 	snop  }
0x57: {  	[spmem:s5] =	stream.indirect.scatter.add.f32 [tilespmem:s19], [sflag:$0x5], $0x10, s7, s20, $0xb8;
	[tilespmem:$0xDD10] =	vst v63  }
0x58: {  	_ =	swait.ge [sflag:s25], $0x800  }
0x59: {  	[sflag:s25] =	ssyncset.done $0x0  }
0x5a: {  	s7 =	sadd.s32 $0x4D80, s22;
	[sflag:s25] =	ssyncadd.s32 $0xFFFFF800  }
0x5b: {  	[spmem:s3] =	stream.indirect.scatter.add.f32 [tilespmem:s23], [sflag:$0x4], $0x10, s7, s20, $0xb8;
	[tilespmem:$0xDD10] =	vst v63  }
0x5c: {  	_ = 	snop  }
0x5d: {  	[spmem:s5] =	stream.indirect.scatter.add.f32 [tilespmem:s19], [sflag:$0x6], $0x10, s7, s20, $0xb8;
	[tilespmem:$0xDD10] =	vst v63  }
0x5e: {  	_ =	swait.ge [sflag:s26], $0x800  }
0x5f: {  	[sflag:s26] =	ssyncset.done $0x0  }
0x60: {  	[sflag:s26] =	ssyncadd.s32 $0xFFFFF800  }
0x61: {  	_ =	swait.ge [sflag:s28], $0x800  }
0x62: {  	[sflag:s28] =	ssyncset.done $0x0  }
0x63: {  	s7 =	sadd.s32 $0x4E00, s22;
	[sflag:s28] =	ssyncadd.s32 $0xFFFFF800  }
0x64: {  	[tilespmem:s21], [sflag:$0x1] =	stream.indirect.gather [spmem:s4], $0x10, s7, s20, $0xb8;
	[tilespmem:$0xDD10] =	vst v63  }
0x65: {  	_ =	swait.ge [sflag:s29], $0x800  }
.Ltmp0:
0x66: {  	[sflag:s29] =	ssyncset.done $0x0;
	(pc) =	sbr.rel @p1 .LBB2_2-.Ltmp0, $4  }
0x67: {  	[sflag:s29] =	ssyncadd.s32 $0xFFFFF800  }
0x68: {  	_ =	swait.ge [sflag:s30], $0x800  }
0x69: {  	[sflag:s30] =	ssyncset.done $0x0  }
0x6a: {  	s22 =	sadd.s32 $0x4F00, s22;
	[sflag:s30] =	ssyncadd.s32 $0xFFFFF800  }
0x6b: {  	[tilespmem:s23], [sflag:$0x2] =	stream.indirect.gather [spmem:s4], $0x10, s22, s20, $0xb8;
	[tilespmem:$0xDD10] =	vst v63  }
0x6c: {  	_ =	swait.ge [sflag:s24], $0x800  }
0x6d: {  	[sflag:s24] =	ssyncset.done $0x0  }
0x6e: {  	[sflag:s24] =	ssyncadd.s32 $0xFFFFF800  }
0x6f: {  	[spmem:s3] =	stream.indirect.scatter.add.f32 [tilespmem:s21], [sflag:$0x3], $0x10, s31, s20, $0xb8;
	[tilespmem:$0xDD10] =	vst v63  }
0x70: {  	_ = 	snop  }
0x71: {  	[spmem:s5] =	stream.indirect.scatter.add.f32 [tilespmem:s19], [sflag:$0x5], $0x10, s31, s20, $0xb8;
	[tilespmem:$0xDD10] =	vst v63  }
0x72: {  	_ =	swait.ge [sflag:s25], $0x800  }
0x73: {  	[sflag:s25] =	ssyncset.done $0x0  }
0x74: {  	[sflag:s25] =	ssyncadd.s32 $0xFFFFF800  }
0x75: {  	[spmem:s3] =	stream.indirect.scatter.add.f32 [tilespmem:s23], [sflag:$0x4], $0x10, s0, s20, $0xb8;
	[tilespmem:$0xDD10] =	vst v63  }
0x76: {  	_ = 	snop  }
0x77: {  	[spmem:s5] =	stream.indirect.scatter.add.f32 [tilespmem:s19], [sflag:$0x6], $0x10, s0, s20, $0xb8;
	[tilespmem:$0xDD10] =	vst v63  }
0x78: {  	_ =	swait.ge [sflag:s26], $0x800  }
0x79: {  	[sflag:s26] =	ssyncset.done $0x0  }
0x7a: {  	[sflag:s26] =	ssyncadd.s32 $0xFFFFF800  }
0x7b: {  	_ =	swait.ge [sflag:s28], $0x800  }
0x7c: {  	[sflag:s28] =	ssyncset.done $0x0  }
0x7d: {  	[sflag:s28] =	ssyncadd.s32 $0xFFFFF800  }
0x7e: {  	_ =	swait.ge [sflag:s29], $0x800  }
0x7f: {  	[sflag:s29] =	ssyncset.done $0x0  }
0x80: {  	[sflag:s29] =	ssyncadd.s32 $0xFFFFF800  }
0x81: {  	_ =	swait.ge [sflag:s30], $0x800  }
0x82: {  	s1 =	simm.s32 @!p0 $0x80;
	[sflag:s30] =	ssyncset.done $0x0  }
0x83: {  	s7 =	simm.s32 @!p0 $0x4E00;
	s22 =	simm.s32 @!p0 $0x4F00;
	[sflag:s30] =	ssyncadd.s32 $0xFFFFF800  }
0x84: {  	[tilespmem:s22], [sflag:$0x1] =	stream.indirect.gather @!p0 [spmem:s4], $0x10, s7, s1, $0xb8;
	[tilespmem:$0xDD10] =	vst v63  }
0x85: {  	s7 =	simm.s32 @!p0 $0x1  }
0x86: {  	_ =	swait.ge @!p0 [sflag:s7], $0x800  }
0x87: {  	[sflag:s7] =	ssyncset.done @!p0 $0x0  }
0x88: {  	[sflag:s7] =	ssyncadd.s32 @!p0 $0xFFFFF800;
	s7 =	simm.s32 @!p0 $0x4E80  }
0x89: {  	[spmem:s3] =	stream.indirect.scatter.add.f32 @!p0 [tilespmem:s22], [sflag:$0x3], $0x10, s7, s1, $0xb8;
	[tilespmem:$0xDD10] =	vst v63  }
0x8a: {  	s22 =	simm.s32 @!p0 $0x5F00  }
0x8b: {  	[spmem:s5] =	stream.indirect.scatter.add.f32 @!p0 [tilespmem:s22], [sflag:$0x5], $0x10, s7, s1, $0xb8;
	[tilespmem:$0xDD10] =	vst v63  }
0x8c: {  	s1 =	simm.s32 @!p0 $0x3  }
0x8d: {  	_ =	swait.ge @!p0 [sflag:s1], $0x800  }
0x8e: {  	[sflag:s1] =	ssyncset.done @!p0 $0x0  }
0x8f: {  	[sflag:s1] =	ssyncadd.s32 @!p0 $0xFFFFF800;
	s1 =	simm.s32 @!p0 $0x5  }
0x90: {  	_ =	swait.ge @!p0 [sflag:s1], $0x800  }
0x91: {  	[sflag:s1] =	ssyncset.done @!p0 $0x0  }
0x92: {  	[sflag:s1] =	ssyncadd.s32 @!p0 $0xFFFFF800  }
0x93: {  	[bflag:$0x0] =	sbarrier.arrive $0xFFFF  }
0x94: {  	[hbm:s11], [sflag:s15] =	dma.local [spmem:s16], $0x4F0  }
0x95: {  	s2 =	sadd.s32 $0x1, s2;
	_ =	swait.ge [sflag:s14], $0x4F0  }
0x96: {  	p1 =	sne.s32 s2, s13;
	[sflag:s14] =	ssyncset.done $0x0  }
.Ltmp1:
0x97: {  	[sflag:s14] =	ssyncadd.s32 $0xFFFFFB10;
	(pc) =	sbr.rel @p1 .LBB2_1-.Ltmp1, $4  }
0x98: {  	[hbm:s12], [sflag:s15] =	dma.local [spmem:s18], $0x4F0  }
0x99: {  	_ =	swait.ge [sflag:s14], $0x4F0  }
0x9a: {  	[sflag:s14] =	ssyncset.done $0x0  }
0x9b: {  	[sflag:s14] =	ssyncadd.s32 $0xFFFFFB10  }
0x9c: {  	_ =	sfence.sel $0x180000  }
0x9d: {  	[bflag:$0x0] =	sbarrier.arrive $0xFFFF  }
0x9e: {  	_ =	strace $0x90000047  }
0x9f: {  	s0 =	stileid.u32;
	[bflag:$0x2] =	sbarrier.arrive $0xFFFF  }
0xa0: {  	p0 =	sne.s32 s0, $0x0;
	s0 =	rddreg [dreg:$0x6]  }
0xa1: {  	s0 =	sadd.s32 @!p0 $0x100000, s0  }
0xa2: {  	[sflag:s0] =	ssyncadd.tile.s32 @!p0 $0x1;
	_ =	shalt  }
.Lfunc_end2:
_tile_overlayer_lowered:
.L_overlay_start_2:
0xa3: {  	(tag) =	ssettag $0x2  }
0xa4: {  	s0 =	rddreg [dreg:$0x0];
	s2 =	stileid.u32  }
0xa5: {  	s1 =	rddreg [dreg:$0x1];
	p0 =	sne.s32 s2, $0x0  }
0xa6: {  	s3 =	rddreg [dreg:$0x2];
	[bflag:$0x3] =	sbarrier.arrive $0xFFFF;
	s2 =	simm.s32 @!p0 $0x1C07  }
0xa7: {  	[timem:s3], [sflag:s2] =	dma.local @!p0 [hbm:s0], s1  }
0xa8: {  	s0 =	simm.s32 @!p0 $0x7  }
0xa9: {  	_ =	swait.ge @!p0 [sflag:s0], s1  }
0xaa: {  	s1 =	ssub.s32 @!p0 $0x0, s1;
	[sflag:s0] =	ssyncset.done @!p0 $0x0  }
0xab: {  	[sflag:s0] =	ssyncadd.s32 @!p0 s1  }
0xac: {  	[bflag:$0x3] =	sbarrier.arrive $0xFFFF  }
0xad: {  	_ =	shalt  }

</sc_bundles>
